<compile_context>
chip_gen: v7x
topology: tpu7x:2x2x1
jax: 0.10.2.dev20260603
libtpu: 0.0.44.dev20260713+nightly
codegen_flags: <defaults>
</compile_context>

<pallas_src>
import functools

import jax
import jax.numpy as jnp
from jax import lax
from jax.experimental import pallas as pl
from jax.experimental.pallas import tpu as pltpu
from jax.experimental.pallas import tpu_sc as plsc

N_NODES = 10000
N_EDGES = 320000
D = 128
ACTION_DIM = 5

NC = 2
NS = 16
NW = NC * NS

B = 128
G = 4
NGROUP = 20
NCHUNK = G * NGROUP
NE_PAD = NW * NCHUNK * B
DUMMY_ROW = N_NODES
ZROWS = 632
ACC_ROWS = NS * ZROWS
OROWS = 624

_mesh = plsc.VectorSubcoreMesh(core_axis_name="c", subcore_axis_name="s")


@functools.partial(
    pl.kernel,
    out_type=jax.ShapeDtypeStruct((NC, N_NODES, D), jnp.float32),
    mesh=_mesh,
    scratch_types=[
        pltpu.VMEM((G, B), jnp.int32),
        pltpu.VMEM((G, B), jnp.int32),
        pltpu.VMEM((G, B), jnp.int32),
        pltpu.VMEM((G, B), jnp.int32),
        pltpu.VMEM((B, D), jnp.float32),
        pltpu.VMEM((B, D), jnp.float32),
        pltpu.VMEM_SHARED((ACC_ROWS, D), jnp.float32),
        pltpu.SemaphoreType.DMA,
        pltpu.SemaphoreType.DMA,
        pltpu.SemaphoreType.DMA,
        pltpu.SemaphoreType.DMA,
    ],
)
def _seg_sum_sc(table_hbm, src_hbm, dst_hbm, zeros_hbm, out_hbm,
                sidx0, sidx1, didx0, didx1, buf0, buf1, acc,
                sem0, sem1, sem_ia, sem_ib):
    cid = lax.axis_index("c")
    sid = lax.axis_index("s")
    wid = sid * NC + cid

    pltpu.sync_copy(zeros_hbm, acc.at[pl.ds(sid * ZROWS, ZROWS)])
    plsc.subcore_barrier()

    def stage(g, s_slot, d_slot, sem):
        k = wid * NGROUP + g
        pltpu.async_copy(src_hbm.at[k], s_slot, sem)
        pltpu.async_copy(dst_hbm.at[k], d_slot, sem)

    def wait_stage(g, s_slot, d_slot, sem):
        k = wid * NGROUP + g
        pltpu.make_async_copy(src_hbm.at[k], s_slot, sem).wait()
        pltpu.make_async_copy(dst_hbm.at[k], d_slot, sem).wait()

    def process_group(s_slot, d_slot):
        pltpu.async_copy(table_hbm.at[s_slot.at[0]], buf0, sem0)
        for j in range(G):
            bj, sj = (buf0, sem0) if j % 2 == 0 else (buf1, sem1)
            pltpu.make_async_copy(table_hbm.at[s_slot.at[j]], bj, sj).wait()
            if j + 1 < G:
                bn, sn = (buf1, sem1) if j % 2 == 0 else (buf0, sem0)
                pltpu.async_copy(table_hbm.at[s_slot.at[j + 1]], bn, sn)
            pltpu.sync_copy(bj, acc.at[d_slot.at[j]], add=True)

    stage(0, sidx0, didx0, sem_ia)

    def body(t, carry):
        del carry
        ga = 2 * t
        wait_stage(ga, sidx0, didx0, sem_ia)
        stage(ga + 1, sidx1, didx1, sem_ib)
        process_group(sidx0, didx0)
        wait_stage(ga + 1, sidx1, didx1, sem_ib)

        @pl.when(ga + 2 < NGROUP)
        def _():
            stage(ga + 2, sidx0, didx0, sem_ia)

        process_group(sidx1, didx1)
        return 0

    lax.fori_loop(0, NGROUP // 2, body, 0, unroll=False)

    plsc.subcore_barrier()
    pltpu.sync_copy(acc.at[pl.ds(sid * OROWS, OROWS)],
                    out_hbm.at[cid, pl.ds(sid * OROWS, OROWS)])

    @pl.when(sid == NS - 1)
    def _():
        tail = NS * OROWS
        pltpu.sync_copy(acc.at[pl.ds(tail, N_NODES - tail)],
                        out_hbm.at[cid, pl.ds(tail, N_NODES - tail)])


def _lin_tanh_body(p_ref, w_ref, b_ref, o_ref):
    x = p_ref[0] + p_ref[1]
    h = jnp.dot(x, w_ref[...], preferred_element_type=jnp.float32)
    o_ref[...] = jnp.tanh(h + b_ref[...])


def _lin_tanh(partials, w, b):
    r = 2000
    grid = N_NODES // r
    return pl.pallas_call(
        _lin_tanh_body,
        grid=(grid,),
        in_specs=[
            pl.BlockSpec((2, r, D), lambda i: (0, i, 0)),
            pl.BlockSpec((D, D), lambda i: (0, 0)),
            pl.BlockSpec((1, D), lambda i: (0, 0)),
        ],
        out_specs=pl.BlockSpec((r, D), lambda i: (i, 0)),
        out_shape=jax.ShapeDtypeStruct((N_NODES, D), jnp.float32),
    )(partials, w, b.reshape(1, D))


def _head_body(p_ref, w2_ref, b2_ref, wa_ref, ba_ref, act_ref, alp_ref):
    x = p_ref[0] + p_ref[1]
    h2 = jnp.tanh(
        jnp.dot(x, w2_ref[...], preferred_element_type=jnp.float32)
        + b2_ref[...])
    logits = (jnp.dot(h2, wa_ref[...], preferred_element_type=jnp.float32)
              + ba_ref[...])
    col = lax.broadcasted_iota(jnp.int32, logits.shape, 1)
    valid = col < ACTION_DIM
    neg = jnp.where(valid, logits, -jnp.inf)
    m = jnp.max(neg, axis=1, keepdims=True)
    amax = jnp.min(jnp.where(neg == m, col, D), axis=1, keepdims=True)
    s = jnp.sum(jnp.where(valid, jnp.exp(neg - m), 0.0), axis=1,
                keepdims=True)
    act_ref[...] = amax
    alp_ref[...] = -jnp.log(s)


def _head(partials, w2, b2, wa_pad, ba_pad):
    r = 2000
    grid = N_NODES // r
    return pl.pallas_call(
        _head_body,
        grid=(grid,),
        in_specs=[
            pl.BlockSpec((2, r, D), lambda i: (0, i, 0)),
            pl.BlockSpec((D, D), lambda i: (0, 0)),
            pl.BlockSpec((1, D), lambda i: (0, 0)),
            pl.BlockSpec((D, D), lambda i: (0, 0)),
            pl.BlockSpec((1, D), lambda i: (0, 0)),
        ],
        out_specs=[
            pl.BlockSpec((r, 1), lambda i: (i, 0)),
            pl.BlockSpec((r, 1), lambda i: (i, 0)),
        ],
        out_shape=[
            jax.ShapeDtypeStruct((N_NODES, 1), jnp.int32),
            jax.ShapeDtypeStruct((N_NODES, 1), jnp.float32),
        ],
    )(partials, w2, b2.reshape(1, D), wa_pad, ba_pad.reshape(1, D))


def kernel(features, edge_index, W1, b1, W2, b2, Wa, ba):
    src = edge_index[0]
    dst = edge_index[1]
    pad = NE_PAD - N_EDGES
    src_p = jnp.concatenate(
        [src, jnp.zeros((pad,), jnp.int32)]).reshape(NW * NGROUP, G, B)
    dst_p = jnp.concatenate(
        [dst, jnp.full((pad,), DUMMY_ROW, jnp.int32)]).reshape(NW * NGROUP, G, B)
    zeros = jnp.zeros((ZROWS, D), jnp.float32)

    wa_pad = jnp.zeros((D, D), jnp.float32).at[:, :ACTION_DIM].set(Wa)
    ba_pad = jnp.zeros((D,), jnp.float32).at[:ACTION_DIM].set(ba)

    p1 = _seg_sum_sc(features, src_p, dst_p, zeros)
    h1 = _lin_tanh(p1, W1, b1)
    p2 = _seg_sum_sc(h1, src_p, dst_p, zeros)
    actions, alp = _head(p2, W2, b2, wa_pad, ba_pad)
    return actions, alp

# --- scband reference (transcript-rebuilt; emitter-appended) ---
"""Pipeline reference for scband-policy-223338300139 (READ-ONLY COPY).

The authoritative reference and input builder live on the scoring server;
editing this copy changes nothing except your own understanding.
"""

import jax, jax.numpy as jnp
import numpy as np

N_NODES = 10000
N_EDGES = 320000
D_FEAT = 128
HIDDEN = 128
ACTION_DIM = 5


def setup_inputs(seed: int = 0) -> dict:
    key = jax.random.key(seed)
    ks = jax.random.split(key, 8)
    features = jax.random.normal(ks[0], (N_NODES, D_FEAT), dtype=jnp.float32)
    edge_index = jax.random.randint(ks[1], (2, N_EDGES), 0, N_NODES, dtype=jnp.int32)
    # GCN layer 1 (linear in_feats -> hidden)
    W1 = jax.random.normal(ks[2], (D_FEAT, HIDDEN), dtype=jnp.float32) * (1.0 / np.sqrt(D_FEAT))
    b1 = jnp.zeros((HIDDEN,), dtype=jnp.float32)
    # GCN layer 2 (linear hidden -> hidden)
    W2 = jax.random.normal(ks[3], (HIDDEN, HIDDEN), dtype=jnp.float32) * (1.0 / np.sqrt(HIDDEN))
    b2 = jnp.zeros((HIDDEN,), dtype=jnp.float32)
    # ACTLayer (Discrete action head: hidden -> action_dim)
    Wa = jax.random.normal(ks[4], (HIDDEN, ACTION_DIM), dtype=jnp.float32) * 0.01
    ba = jnp.zeros((ACTION_DIM,), dtype=jnp.float32)
    return {"features": features, "edge_index": edge_index,
            "W1": W1, "b1": b1, "W2": W2, "b2": b2, "Wa": Wa, "ba": ba}


def reference(features, edge_index, W1, b1, W2, b2, Wa, ba):
    src = edge_index[0]
    dst = edge_index[1]
    # GCN layer 1: copy_src message + sum reduce (scatter-add), then linear + tanh
    msg1 = jnp.take(features, src, axis=0)
    agg1 = jax.ops.segment_sum(msg1, dst, num_segments=N_NODES)
    h1 = jnp.tanh(agg1 @ W1 + b1)
    # GCN layer 2
    msg2 = jnp.take(h1, src, axis=0)
    agg2 = jax.ops.segment_sum(msg2, dst, num_segments=N_NODES)
    h2 = jnp.tanh(agg2 @ W2 + b2)
    # ACTLayer: categorical distribution over discrete actions (deterministic mode)
    logits = h2 @ Wa + ba
    logp = jax.nn.log_softmax(logits, axis=-1)
    actions = jnp.argmax(logits, axis=-1, keepdims=True)
    action_log_probs = jnp.take_along_axis(logp, actions, axis=1)
    return (actions, action_log_probs)

if __name__ == "__main__":
    import jax
    _d = setup_inputs()
    print(jax.jit(kernel)(*tuple(_d.values())))

</pallas_src>

<mosaic_0001>
#map = affine_map<(d0, d1) -> (0, 0)>
#map1 = affine_map<(d0, d1) -> (0, 0, 0)>
module attributes {stable_mosaic.version = 14 : i64} {
  func.func @_seg_sum_sc(%arg0: i32, %arg1: i32, %arg2: memref<10000x128xf32, #tpu.memory_space<hbm>>, %arg3: memref<640x4x128xi32, #tpu.memory_space<hbm>>, %arg4: memref<640x4x128xi32, #tpu.memory_space<hbm>>, %arg5: memref<632x128xf32, #tpu.memory_space<hbm>>, %arg6: memref<2x10000x128xf32, #tpu.memory_space<hbm>>, %arg7: memref<4x128xi32, #tpu.memory_space<vmem>>, %arg8: memref<4x128xi32, #tpu.memory_space<vmem>>, %arg9: memref<4x128xi32, #tpu.memory_space<vmem>>, %arg10: memref<4x128xi32, #tpu.memory_space<vmem>>, %arg11: memref<128x128xf32, #tpu.memory_space<vmem>>, %arg12: memref<128x128xf32, #tpu.memory_space<vmem>>, %arg13: memref<10112x128xf32, #tpu.memory_space<vmem_shared>>, %arg14: memref<!tpu.dma_semaphore, #tpu.memory_space<semaphore_mem>>, %arg15: memref<!tpu.dma_semaphore, #tpu.memory_space<semaphore_mem>>, %arg16: memref<!tpu.dma_semaphore, #tpu.memory_space<semaphore_mem>>, %arg17: memref<!tpu.dma_semaphore, #tpu.memory_space<semaphore_mem>>) attributes {dimension_semantics = [#tpu.dimension_semantics<core_parallel>, #tpu.dimension_semantics<subcore_parallel>], iteration_bounds = array<i64: 2, 16>, scalar_prefetch = 0 : i64, scratch_operands = 11 : i64, tpu.core_type = #tpu.core_type<sc_vector_subcore>, window_params = [{transform_indices = #map}, {transform_indices = #map1}, {transform_indices = #map1}, {transform_indices = #map}, {transform_indices = #map1}]} {
    %mul3A = arith.constant 2 : i32
    %mul3A_0 = arith.muli %arg1, %mul3A : i32
    %add3A = arith.addi %mul3A_0, %arg0 : i32
    %mul3A_1 = arith.constant 632 : i32
    %mul3A_2 = arith.muli %arg1, %mul3A_1 : i32
    "tpu.region"() ({
      %run_scoped3A = tpu.sem_alloc : memref<!tpu.dma_semaphore, #tpu.memory_space<semaphore_mem>>
      %dma_start3A_35 = arith.constant 0 : i32
      %dma_start3A_36 = tpu.memref_slice %arg13[%mul3A_2, %dma_start3A_35] : memref<10112x128xf32, #tpu.memory_space<vmem_shared>> -> memref<632x128xf32, #tpu.memory_space<vmem_shared>>
      tpu.enqueue_dma source(%arg5 : memref<632x128xf32, #tpu.memory_space<hbm>>) target(%dma_start3A_36 : memref<632x128xf32, #tpu.memory_space<vmem_shared>>) target_semaphore(%run_scoped3A : memref<!tpu.dma_semaphore, #tpu.memory_space<semaphore_mem>>)
      %dma_wait3A = arith.constant 0 : i32
      %dma_wait3A_37 = tpu.memref_slice %arg13[%mul3A_2, %dma_wait3A] : memref<10112x128xf32, #tpu.memory_space<vmem_shared>> -> memref<632x128xf32, #tpu.memory_space<vmem_shared>>
      tpu.wait_dma2 semaphore(%run_scoped3A : memref<!tpu.dma_semaphore, #tpu.memory_space<semaphore_mem>>) src(%arg5 : memref<632x128xf32, #tpu.memory_space<hbm>>) dst(%dma_wait3A_37 : memref<632x128xf32, #tpu.memory_space<vmem_shared>>)
      tpu.yield
    }) : () -> ()
    %barrier3A = arith.constant 0 : index
    tpu.barrier barrier_id(%barrier3A)
    %mul3A_3 = arith.constant 20 : i32
    %mul3A_4 = arith.muli %add3A, %mul3A_3 : i32
    %add3A_5 = arith.constant 0 : i32
    %add3A_6 = arith.addi %mul3A_4, %add3A_5 : i32
    %dma_start3A = arith.constant 0 : i32
    %dma_start3A_7 = arith.constant 0 : i32
    %dma_start3A_8 = tpu.memref_slice %arg3[%add3A_6, %dma_start3A, %dma_start3A_7] : memref<640x4x128xi32, #tpu.memory_space<hbm>> -> memref<1x4x128xi32, #tpu.memory_space<hbm>>
    %dma_start3A_9 = tpu.memref_squeeze %dma_start3A_8 : memref<1x4x128xi32, #tpu.memory_space<hbm>> -> memref<4x128xi32, #tpu.memory_space<hbm>>
    %dma_start3A_10 = arith.constant 0 : i32
    %dma_start3A_11 = arith.constant 0 : i32
    %dma_start3A_12 = tpu.memref_slice %arg3[%add3A_6, %dma_start3A_10, %dma_start3A_11] : memref<640x4x128xi32, #tpu.memory_space<hbm>> -> memref<1x4x128xi32, #tpu.memory_space<hbm>>
    %dma_start3A_13 = tpu.memref_squeeze %dma_start3A_12 : memref<1x4x128xi32, #tpu.memory_space<hbm>> -> memref<4x128xi32, #tpu.memory_space<hbm>>
    tpu.enqueue_dma source(%dma_start3A_13 : memref<4x128xi32, #tpu.memory_space<hbm>>) target(%arg7 : memref<4x128xi32, #tpu.memory_space<vmem>>) target_semaphore(%arg16 : memref<!tpu.dma_semaphore, #tpu.memory_space<semaphore_mem>>)
    %dma_start3A_14 = arith.constant 0 : i32
    %dma_start3A_15 = arith.constant 0 : i32
    %dma_start3A_16 = tpu.memref_slice %arg4[%add3A_6, %dma_start3A_14, %dma_start3A_15] : memref<640x4x128xi32, #tpu.memory_space<hbm>> -> memref<1x4x128xi32, #tpu.memory_space<hbm>>
    %dma_start3A_17 = tpu.memref_squeeze %dma_start3A_16 : memref<1x4x128xi32, #tpu.memory_space<hbm>> -> memref<4x128xi32, #tpu.memory_space<hbm>>
    %dma_start3A_18 = arith.constant 0 : i32
    %dma_start3A_19 = arith.constant 0 : i32
    %dma_start3A_20 = tpu.memref_slice %arg4[%add3A_6, %dma_start3A_18, %dma_start3A_19] : memref<640x4x128xi32, #tpu.memory_space<hbm>> -> memref<1x4x128xi32, #tpu.memory_space<hbm>>
    %dma_start3A_21 = tpu.memref_squeeze %dma_start3A_20 : memref<1x4x128xi32, #tpu.memory_space<hbm>> -> memref<4x128xi32, #tpu.memory_space<hbm>>
    tpu.enqueue_dma source(%dma_start3A_21 : memref<4x128xi32, #tpu.memory_space<hbm>>) target(%arg9 : memref<4x128xi32, #tpu.memory_space<vmem>>) target_semaphore(%arg16 : memref<!tpu.dma_semaphore, #tpu.memory_space<semaphore_mem>>)
    %scan3A = arith.constant 0 : i32
    %scan3A_22 = arith.constant 0 : i32
    %scan3A_23 = arith.constant 10 : i32
    %scan3A_24 = arith.addi %scan3A_22, %scan3A_23 : i32
    %scan3A_25 = arith.constant 1 : i32
    %scan3A_26 = scf.for %scan3A_35 = %scan3A_22 to %scan3A_24 step %scan3A_25 iter_args(%scan3A_36 = %scan3A) -> (i32)  : i32 {
      %mul3A_37 = arith.constant 2 : i32
      %mul3A_38 = arith.muli %mul3A_37, %scan3A_35 : i32
      %mul3A_39 = arith.constant 20 : i32
      %mul3A_40 = arith.muli %add3A, %mul3A_39 : i32
      %add3A_41 = arith.addi %mul3A_40, %mul3A_38 : i32
      %dma_wait3A = arith.constant 0 : i32
      %dma_wait3A_42 = arith.constant 0 : i32
      %dma_wait3A_43 = tpu.memref_slice %arg3[%add3A_41, %dma_wait3A, %dma_wait3A_42] : memref<640x4x128xi32, #tpu.memory_space<hbm>> -> memref<1x4x128xi32, #tpu.memory_space<hbm>>
      %dma_wait3A_44 = tpu.memref_squeeze %dma_wait3A_43 : memref<1x4x128xi32, #tpu.memory_space<hbm>> -> memref<4x128xi32, #tpu.memory_space<hbm>>
      %dma_wait3A_45 = arith.constant 0 : i32
      %dma_wait3A_46 = arith.constant 0 : i32
      %dma_wait3A_47 = tpu.memref_slice %arg3[%add3A_41, %dma_wait3A_45, %dma_wait3A_46] : memref<640x4x128xi32, #tpu.memory_space<hbm>> -> memref<1x4x128xi32, #tpu.memory_space<hbm>>
      %dma_wait3A_48 = tpu.memref_squeeze %dma_wait3A_47 : memref<1x4x128xi32, #tpu.memory_space<hbm>> -> memref<4x128xi32, #tpu.memory_space<hbm>>
      tpu.wait_dma2 semaphore(%arg16 : memref<!tpu.dma_semaphore, #tpu.memory_space<semaphore_mem>>) src(%dma_wait3A_48 : memref<4x128xi32, #tpu.memory_space<hbm>>) dst(%arg7 : memref<4x128xi32, #tpu.memory_space<vmem>>)
      %dma_wait3A_49 = arith.constant 0 : i32
      %dma_wait3A_50 = arith.constant 0 : i32
      %dma_wait3A_51 = tpu.memref_slice %arg4[%add3A_41, %dma_wait3A_49, %dma_wait3A_50] : memref<640x4x128xi32, #tpu.memory_space<hbm>> -> memref<1x4x128xi32, #tpu.memory_space<hbm>>
      %dma_wait3A_52 = tpu.memref_squeeze %dma_wait3A_51 : memref<1x4x128xi32, #tpu.memory_space<hbm>> -> memref<4x128xi32, #tpu.memory_space<hbm>>
      %dma_wait3A_53 = arith.constant 0 : i32
      %dma_wait3A_54 = arith.constant 0 : i32
      %dma_wait3A_55 = tpu.memref_slice %arg4[%add3A_41, %dma_wait3A_53, %dma_wait3A_54] : memref<640x4x128xi32, #tpu.memory_space<hbm>> -> memref<1x4x128xi32, #tpu.memory_space<hbm>>
      %dma_wait3A_56 = tpu.memref_squeeze %dma_wait3A_55 : memref<1x4x128xi32, #tpu.memory_space<hbm>> -> memref<4x128xi32, #tpu.memory_space<hbm>>
      tpu.wait_dma2 semaphore(%arg16 : memref<!tpu.dma_semaphore, #tpu.memory_space<semaphore_mem>>) src(%dma_wait3A_56 : memref<4x128xi32, #tpu.memory_space<hbm>>) dst(%arg9 : memref<4x128xi32, #tpu.memory_space<vmem>>)
      %add3A_57 = arith.constant 1 : i32
      %add3A_58 = arith.addi %mul3A_38, %add3A_57 : i32
      %mul3A_59 = arith.constant 20 : i32
      %mul3A_60 = arith.muli %add3A, %mul3A_59 : i32
      %add3A_61 = arith.addi %mul3A_60, %add3A_58 : i32
      %dma_start3A_62 = arith.constant 0 : i32
      %dma_start3A_63 = arith.constant 0 : i32
      %dma_start3A_64 = tpu.memref_slice %arg3[%add3A_61, %dma_start3A_62, %dma_start3A_63] : memref<640x4x128xi32, #tpu.memory_space<hbm>> -> memref<1x4x128xi32, #tpu.memory_space<hbm>>
      %dma_start3A_65 = tpu.memref_squeeze %dma_start3A_64 : memref<1x4x128xi32, #tpu.memory_space<hbm>> -> memref<4x128xi32, #tpu.memory_space<hbm>>
      %dma_start3A_66 = arith.constant 0 : i32
      %dma_start3A_67 = arith.constant 0 : i32
      %dma_start3A_68 = tpu.memref_slice %arg3[%add3A_61, %dma_start3A_66, %dma_start3A_67] : memref<640x4x128xi32, #tpu.memory_space<hbm>> -> memref<1x4x128xi32, #tpu.memory_space<hbm>>
      %dma_start3A_69 = tpu.memref_squeeze %dma_start3A_68 : memref<1x4x128xi32, #tpu.memory_space<hbm>> -> memref<4x128xi32, #tpu.memory_space<hbm>>
      tpu.enqueue_dma source(%dma_start3A_69 : memref<4x128xi32, #tpu.memory_space<hbm>>) target(%arg8 : memref<4x128xi32, #tpu.memory_space<vmem>>) target_semaphore(%arg17 : memref<!tpu.dma_semaphore, #tpu.memory_space<semaphore_mem>>)
      %dma_start3A_70 = arith.constant 0 : i32
      %dma_start3A_71 = arith.constant 0 : i32
      %dma_start3A_72 = tpu.memref_slice %arg4[%add3A_61, %dma_start3A_70, %dma_start3A_71] : memref<640x4x128xi32, #tpu.memory_space<hbm>> -> memref<1x4x128xi32, #tpu.memory_space<hbm>>
      %dma_start3A_73 = tpu.memref_squeeze %dma_start3A_72 : memref<1x4x128xi32, #tpu.memory_space<hbm>> -> memref<4x128xi32, #tpu.memory_space<hbm>>
      %dma_start3A_74 = arith.constant 0 : i32
      %dma_start3A_75 = arith.constant 0 : i32
      %dma_start3A_76 = tpu.memref_slice %arg4[%add3A_61, %dma_start3A_74, %dma_start3A_75] : memref<640x4x128xi32, #tpu.memory_space<hbm>> -> memref<1x4x128xi32, #tpu.memory_space<hbm>>
      %dma_start3A_77 = tpu.memref_squeeze %dma_start3A_76 : memref<1x4x128xi32, #tpu.memory_space<hbm>> -> memref<4x128xi32, #tpu.memory_space<hbm>>
      tpu.enqueue_dma source(%dma_start3A_77 : memref<4x128xi32, #tpu.memory_space<hbm>>) target(%arg10 : memref<4x128xi32, #tpu.memory_space<vmem>>) target_semaphore(%arg17 : memref<!tpu.dma_semaphore, #tpu.memory_space<semaphore_mem>>)
      %dma_start3A_78 = arith.constant 0 : i32
      %dma_start3A_79 = arith.constant 0 : i32
      %dma_start3A_80 = tpu.memref_slice %arg7[%dma_start3A_78, %dma_start3A_79] : memref<4x128xi32, #tpu.memory_space<vmem>> -> memref<1x128xi32, #tpu.memory_space<vmem>>
      %dma_start3A_81 = tpu.memref_squeeze %dma_start3A_80 : memref<1x128xi32, #tpu.memory_space<vmem>> -> memref<128xi32, #tpu.memory_space<vmem>>
      %dma_start3A_82 = arith.constant 0 : i32
      %dma_start3A_83 = arith.constant 0 : i32
      %dma_start3A_84 = tpu.memref_slice %arg2[%dma_start3A_82, %dma_start3A_83] : memref<10000x128xf32, #tpu.memory_space<hbm>> -> memref<10000x128xf32, #tpu.memory_space<hbm>>
      tpu.enqueue_indirect_dma source(%dma_start3A_84 : memref<10000x128xf32, #tpu.memory_space<hbm>>) target(%arg11 : memref<128x128xf32, #tpu.memory_space<vmem>>) offsets(%dma_start3A_81 : memref<128xi32, #tpu.memory_space<vmem>>) semaphore(%arg14 : memref<!tpu.dma_semaphore, #tpu.memory_space<semaphore_mem>>)
      %dma_wait3A_85 = arith.constant 0 : i32
      %dma_wait3A_86 = arith.constant 0 : i32
      %dma_wait3A_87 = tpu.memref_slice %arg7[%dma_wait3A_85, %dma_wait3A_86] : memref<4x128xi32, #tpu.memory_space<vmem>> -> memref<1x128xi32, #tpu.memory_space<vmem>>
      %dma_wait3A_88 = tpu.memref_squeeze %dma_wait3A_87 : memref<1x128xi32, #tpu.memory_space<vmem>> -> memref<128xi32, #tpu.memory_space<vmem>>
      %dma_wait3A_89 = arith.constant 0 : i32
      %dma_wait3A_90 = arith.constant 0 : i32
      %dma_wait3A_91 = tpu.memref_slice %arg2[%dma_wait3A_89, %dma_wait3A_90] : memref<10000x128xf32, #tpu.memory_space<hbm>> -> memref<10000x128xf32, #tpu.memory_space<hbm>>
      tpu.wait_indirect_dma semaphore(%arg14 : memref<!tpu.dma_semaphore, #tpu.memory_space<semaphore_mem>>) src(%dma_wait3A_91 : memref<10000x128xf32, #tpu.memory_space<hbm>>) dst(%arg11 : memref<128x128xf32, #tpu.memory_space<vmem>>)
      %dma_start3A_92 = arith.constant 1 : i32
      %dma_start3A_93 = arith.constant 0 : i32
      %dma_start3A_94 = tpu.memref_slice %arg7[%dma_start3A_92, %dma_start3A_93] : memref<4x128xi32, #tpu.memory_space<vmem>> -> memref<1x128xi32, #tpu.memory_space<vmem>>
      %dma_start3A_95 = tpu.memref_squeeze %dma_start3A_94 : memref<1x128xi32, #tpu.memory_space<vmem>> -> memref<128xi32, #tpu.memory_space<vmem>>
      %dma_start3A_96 = arith.constant 0 : i32
      %dma_start3A_97 = arith.constant 0 : i32
      %dma_start3A_98 = tpu.memref_slice %arg2[%dma_start3A_96, %dma_start3A_97] : memref<10000x128xf32, #tpu.memory_space<hbm>> -> memref<10000x128xf32, #tpu.memory_space<hbm>>
      tpu.enqueue_indirect_dma source(%dma_start3A_98 : memref<10000x128xf32, #tpu.memory_space<hbm>>) target(%arg12 : memref<128x128xf32, #tpu.memory_space<vmem>>) offsets(%dma_start3A_95 : memref<128xi32, #tpu.memory_space<vmem>>) semaphore(%arg15 : memref<!tpu.dma_semaphore, #tpu.memory_space<semaphore_mem>>)
      %run_scoped3A = arith.constant 0 : i32
      "tpu.region"() ({
        %run_scoped3A_225 = tpu.sem_alloc : memref<!tpu.dma_semaphore, #tpu.memory_space<semaphore_mem>>
        %dma_start3A_226 = arith.constant 0 : i32
        %dma_start3A_227 = tpu.memref_slice %arg9[%run_scoped3A, %dma_start3A_226] : memref<4x128xi32, #tpu.memory_space<vmem>> -> memref<1x128xi32, #tpu.memory_space<vmem>>
        %dma_start3A_228 = tpu.memref_squeeze %dma_start3A_227 : memref<1x128xi32, #tpu.memory_space<vmem>> -> memref<128xi32, #tpu.memory_space<vmem>>
        %dma_start3A_229 = arith.constant 0 : i32
        %dma_start3A_230 = arith.constant 0 : i32
        %dma_start3A_231 = tpu.memref_slice %arg13[%dma_start3A_229, %dma_start3A_230] : memref<10112x128xf32, #tpu.memory_space<vmem_shared>> -> memref<10112x128xf32, #tpu.memory_space<vmem_shared>>
        tpu.enqueue_indirect_dma source(%arg11 : memref<128x128xf32, #tpu.memory_space<vmem>>) target(%dma_start3A_231 : memref<10112x128xf32, #tpu.memory_space<vmem_shared>>) offsets(%dma_start3A_228 : memref<128xi32, #tpu.memory_space<vmem>>) semaphore(%run_scoped3A_225 : memref<!tpu.dma_semaphore, #tpu.memory_space<semaphore_mem>>) {add = true}
        %dma_wait3A_232 = arith.constant 0 : i32
        %dma_wait3A_233 = tpu.memref_slice %arg9[%run_scoped3A, %dma_wait3A_232] : memref<4x128xi32, #tpu.memory_space<vmem>> -> memref<1x128xi32, #tpu.memory_space<vmem>>
        %dma_wait3A_234 = tpu.memref_squeeze %dma_wait3A_233 : memref<1x128xi32, #tpu.memory_space<vmem>> -> memref<128xi32, #tpu.memory_space<vmem>>
        %dma_wait3A_235 = arith.constant 0 : i32
        %dma_wait3A_236 = arith.constant 0 : i32
        %dma_wait3A_237 = tpu.memref_slice %arg13[%dma_wait3A_235, %dma_wait3A_236] : memref<10112x128xf32, #tpu.memory_space<vmem_shared>> -> memref<10112x128xf32, #tpu.memory_space<vmem_shared>>
        tpu.wait_indirect_dma semaphore(%run_scoped3A_225 : memref<!tpu.dma_semaphore, #tpu.memory_space<semaphore_mem>>) src(%arg11 : memref<128x128xf32, #tpu.memory_space<vmem>>) dst(%dma_wait3A_237 : memref<10112x128xf32, #tpu.memory_space<vmem_shared>>)
        tpu.yield
      }) : () -> ()
      %dma_wait3A_99 = arith.constant 1 : i32
      %dma_wait3A_100 = arith.constant 0 : i32
      %dma_wait3A_101 = tpu.memref_slice %arg7[%dma_wait3A_99, %dma_wait3A_100] : memref<4x128xi32, #tpu.memory_space<vmem>> -> memref<1x128xi32, #tpu.memory_space<vmem>>
      %dma_wait3A_102 = tpu.memref_squeeze %dma_wait3A_101 : memref<1x128xi32, #tpu.memory_space<vmem>> -> memref<128xi32, #tpu.memory_space<vmem>>
      %dma_wait3A_103 = arith.constant 0 : i32
      %dma_wait3A_104 = arith.constant 0 : i32
      %dma_wait3A_105 = tpu.memref_slice %arg2[%dma_wait3A_103, %dma_wait3A_104] : memref<10000x128xf32, #tpu.memory_space<hbm>> -> memref<10000x128xf32, #tpu.memory_space<hbm>>
      tpu.wait_indirect_dma semaphore(%arg15 : memref<!tpu.dma_semaphore, #tpu.memory_space<semaphore_mem>>) src(%dma_wait3A_105 : memref<10000x128xf32, #tpu.memory_space<hbm>>) dst(%arg12 : memref<128x128xf32, #tpu.memory_space<vmem>>)
      %dma_start3A_106 = arith.constant 2 : i32
      %dma_start3A_107 = arith.constant 0 : i32
      %dma_start3A_108 = tpu.memref_slice %arg7[%dma_start3A_106, %dma_start3A_107] : memref<4x128xi32, #tpu.memory_space<vmem>> -> memref<1x128xi32, #tpu.memory_space<vmem>>
      %dma_start3A_109 = tpu.memref_squeeze %dma_start3A_108 : memref<1x128xi32, #tpu.memory_space<vmem>> -> memref<128xi32, #tpu.memory_space<vmem>>
      %dma_start3A_110 = arith.constant 0 : i32
      %dma_start3A_111 = arith.constant 0 : i32
      %dma_start3A_112 = tpu.memref_slice %arg2[%dma_start3A_110, %dma_start3A_111] : memref<10000x128xf32, #tpu.memory_space<hbm>> -> memref<10000x128xf32, #tpu.memory_space<hbm>>
      tpu.enqueue_indirect_dma source(%dma_start3A_112 : memref<10000x128xf32, #tpu.memory_space<hbm>>) target(%arg11 : memref<128x128xf32, #tpu.memory_space<vmem>>) offsets(%dma_start3A_109 : memref<128xi32, #tpu.memory_space<vmem>>) semaphore(%arg14 : memref<!tpu.dma_semaphore, #tpu.memory_space<semaphore_mem>>)
      %run_scoped3A_113 = arith.constant 1 : i32
      "tpu.region"() ({
        %run_scoped3A_225 = tpu.sem_alloc : memref<!tpu.dma_semaphore, #tpu.memory_space<semaphore_mem>>
        %dma_start3A_226 = arith.constant 0 : i32
        %dma_start3A_227 = tpu.memref_slice %arg9[%run_scoped3A_113, %dma_start3A_226] : memref<4x128xi32, #tpu.memory_space<vmem>> -> memref<1x128xi32, #tpu.memory_space<vmem>>
        %dma_start3A_228 = tpu.memref_squeeze %dma_start3A_227 : memref<1x128xi32, #tpu.memory_space<vmem>> -> memref<128xi32, #tpu.memory_space<vmem>>
        %dma_start3A_229 = arith.constant 0 : i32
        %dma_start3A_230 = arith.constant 0 : i32
        %dma_start3A_231 = tpu.memref_slice %arg13[%dma_start3A_229, %dma_start3A_230] : memref<10112x128xf32, #tpu.memory_space<vmem_shared>> -> memref<10112x128xf32, #tpu.memory_space<vmem_shared>>
        tpu.enqueue_indirect_dma source(%arg12 : memref<128x128xf32, #tpu.memory_space<vmem>>) target(%dma_start3A_231 : memref<10112x128xf32, #tpu.memory_space<vmem_shared>>) offsets(%dma_start3A_228 : memref<128xi32, #tpu.memory_space<vmem>>) semaphore(%run_scoped3A_225 : memref<!tpu.dma_semaphore, #tpu.memory_space<semaphore_mem>>) {add = true}
        %dma_wait3A_232 = arith.constant 0 : i32
        %dma_wait3A_233 = tpu.memref_slice %arg9[%run_scoped3A_113, %dma_wait3A_232] : memref<4x128xi32, #tpu.memory_space<vmem>> -> memref<1x128xi32, #tpu.memory_space<vmem>>
        %dma_wait3A_234 = tpu.memref_squeeze %dma_wait3A_233 : memref<1x128xi32, #tpu.memory_space<vmem>> -> memref<128xi32, #tpu.memory_space<vmem>>
        %dma_wait3A_235 = arith.constant 0 : i32
        %dma_wait3A_236 = arith.constant 0 : i32
        %dma_wait3A_237 = tpu.memref_slice %arg13[%dma_wait3A_235, %dma_wait3A_236] : memref<10112x128xf32, #tpu.memory_space<vmem_shared>> -> memref<10112x128xf32, #tpu.memory_space<vmem_shared>>
        tpu.wait_indirect_dma semaphore(%run_scoped3A_225 : memref<!tpu.dma_semaphore, #tpu.memory_space<semaphore_mem>>) src(%arg12 : memref<128x128xf32, #tpu.memory_space<vmem>>) dst(%dma_wait3A_237 : memref<10112x128xf32, #tpu.memory_space<vmem_shared>>)
        tpu.yield
      }) : () -> ()
      %dma_wait3A_114 = arith.constant 2 : i32
      %dma_wait3A_115 = arith.constant 0 : i32
      %dma_wait3A_116 = tpu.memref_slice %arg7[%dma_wait3A_114, %dma_wait3A_115] : memref<4x128xi32, #tpu.memory_space<vmem>> -> memref<1x128xi32, #tpu.memory_space<vmem>>
      %dma_wait3A_117 = tpu.memref_squeeze %dma_wait3A_116 : memref<1x128xi32, #tpu.memory_space<vmem>> -> memref<128xi32, #tpu.memory_space<vmem>>
      %dma_wait3A_118 = arith.constant 0 : i32
      %dma_wait3A_119 = arith.constant 0 : i32
      %dma_wait3A_120 = tpu.memref_slice %arg2[%dma_wait3A_118, %dma_wait3A_119] : memref<10000x128xf32, #tpu.memory_space<hbm>> -> memref<10000x128xf32, #tpu.memory_space<hbm>>
      tpu.wait_indirect_dma semaphore(%arg14 : memref<!tpu.dma_semaphore, #tpu.memory_space<semaphore_mem>>) src(%dma_wait3A_120 : memref<10000x128xf32, #tpu.memory_space<hbm>>) dst(%arg11 : memref<128x128xf32, #tpu.memory_space<vmem>>)
      %dma_start3A_121 = arith.constant 3 : i32
      %dma_start3A_122 = arith.constant 0 : i32
      %dma_start3A_123 = tpu.memref_slice %arg7[%dma_start3A_121, %dma_start3A_122] : memref<4x128xi32, #tpu.memory_space<vmem>> -> memref<1x128xi32, #tpu.memory_space<vmem>>
      %dma_start3A_124 = tpu.memref_squeeze %dma_start3A_123 : memref<1x128xi32, #tpu.memory_space<vmem>> -> memref<128xi32, #tpu.memory_space<vmem>>
      %dma_start3A_125 = arith.constant 0 : i32
      %dma_start3A_126 = arith.constant 0 : i32
      %dma_start3A_127 = tpu.memref_slice %arg2[%dma_start3A_125, %dma_start3A_126] : memref<10000x128xf32, #tpu.memory_space<hbm>> -> memref<10000x128xf32, #tpu.memory_space<hbm>>
      tpu.enqueue_indirect_dma source(%dma_start3A_127 : memref<10000x128xf32, #tpu.memory_space<hbm>>) target(%arg12 : memref<128x128xf32, #tpu.memory_space<vmem>>) offsets(%dma_start3A_124 : memref<128xi32, #tpu.memory_space<vmem>>) semaphore(%arg15 : memref<!tpu.dma_semaphore, #tpu.memory_space<semaphore_mem>>)
      %run_scoped3A_128 = arith.constant 2 : i32
      "tpu.region"() ({
        %run_scoped3A_225 = tpu.sem_alloc : memref<!tpu.dma_semaphore, #tpu.memory_space<semaphore_mem>>
        %dma_start3A_226 = arith.constant 0 : i32
        %dma_start3A_227 = tpu.memref_slice %arg9[%run_scoped3A_128, %dma_start3A_226] : memref<4x128xi32, #tpu.memory_space<vmem>> -> memref<1x128xi32, #tpu.memory_space<vmem>>
        %dma_start3A_228 = tpu.memref_squeeze %dma_start3A_227 : memref<1x128xi32, #tpu.memory_space<vmem>> -> memref<128xi32, #tpu.memory_space<vmem>>
        %dma_start3A_229 = arith.constant 0 : i32
        %dma_start3A_230 = arith.constant 0 : i32
        %dma_start3A_231 = tpu.memref_slice %arg13[%dma_start3A_229, %dma_start3A_230] : memref<10112x128xf32, #tpu.memory_space<vmem_shared>> -> memref<10112x128xf32, #tpu.memory_space<vmem_shared>>
        tpu.enqueue_indirect_dma source(%arg11 : memref<128x128xf32, #tpu.memory_space<vmem>>) target(%dma_start3A_231 : memref<10112x128xf32, #tpu.memory_space<vmem_shared>>) offsets(%dma_start3A_228 : memref<128xi32, #tpu.memory_space<vmem>>) semaphore(%run_scoped3A_225 : memref<!tpu.dma_semaphore, #tpu.memory_space<semaphore_mem>>) {add = true}
        %dma_wait3A_232 = arith.constant 0 : i32
        %dma_wait3A_233 = tpu.memref_slice %arg9[%run_scoped3A_128, %dma_wait3A_232] : memref<4x128xi32, #tpu.memory_space<vmem>> -> memref<1x128xi32, #tpu.memory_space<vmem>>
        %dma_wait3A_234 = tpu.memref_squeeze %dma_wait3A_233 : memref<1x128xi32, #tpu.memory_space<vmem>> -> memref<128xi32, #tpu.memory_space<vmem>>
        %dma_wait3A_235 = arith.constant 0 : i32
        %dma_wait3A_236 = arith.constant 0 : i32
        %dma_wait3A_237 = tpu.memref_slice %arg13[%dma_wait3A_235, %dma_wait3A_236] : memref<10112x128xf32, #tpu.memory_space<vmem_shared>> -> memref<10112x128xf32, #tpu.memory_space<vmem_shared>>
        tpu.wait_indirect_dma semaphore(%run_scoped3A_225 : memref<!tpu.dma_semaphore, #tpu.memory_space<semaphore_mem>>) src(%arg11 : memref<128x128xf32, #tpu.memory_space<vmem>>) dst(%dma_wait3A_237 : memref<10112x128xf32, #tpu.memory_space<vmem_shared>>)
        tpu.yield
      }) : () -> ()
      %dma_wait3A_129 = arith.constant 3 : i32
      %dma_wait3A_130 = arith.constant 0 : i32
      %dma_wait3A_131 = tpu.memref_slice %arg7[%dma_wait3A_129, %dma_wait3A_130] : memref<4x128xi32, #tpu.memory_space<vmem>> -> memref<1x128xi32, #tpu.memory_space<vmem>>
      %dma_wait3A_132 = tpu.memref_squeeze %dma_wait3A_131 : memref<1x128xi32, #tpu.memory_space<vmem>> -> memref<128xi32, #tpu.memory_space<vmem>>
      %dma_wait3A_133 = arith.constant 0 : i32
      %dma_wait3A_134 = arith.constant 0 : i32
      %dma_wait3A_135 = tpu.memref_slice %arg2[%dma_wait3A_133, %dma_wait3A_134] : memref<10000x128xf32, #tpu.memory_space<hbm>> -> memref<10000x128xf32, #tpu.memory_space<hbm>>
      tpu.wait_indirect_dma semaphore(%arg15 : memref<!tpu.dma_semaphore, #tpu.memory_space<semaphore_mem>>) src(%dma_wait3A_135 : memref<10000x128xf32, #tpu.memory_space<hbm>>) dst(%arg12 : memref<128x128xf32, #tpu.memory_space<vmem>>)
      %run_scoped3A_136 = arith.constant 3 : i32
      "tpu.region"() ({
        %run_scoped3A_225 = tpu.sem_alloc : memref<!tpu.dma_semaphore, #tpu.memory_space<semaphore_mem>>
        %dma_start3A_226 = arith.constant 0 : i32
        %dma_start3A_227 = tpu.memref_slice %arg9[%run_scoped3A_136, %dma_start3A_226] : memref<4x128xi32, #tpu.memory_space<vmem>> -> memref<1x128xi32, #tpu.memory_space<vmem>>
        %dma_start3A_228 = tpu.memref_squeeze %dma_start3A_227 : memref<1x128xi32, #tpu.memory_space<vmem>> -> memref<128xi32, #tpu.memory_space<vmem>>
        %dma_start3A_229 = arith.constant 0 : i32
        %dma_start3A_230 = arith.constant 0 : i32
        %dma_start3A_231 = tpu.memref_slice %arg13[%dma_start3A_229, %dma_start3A_230] : memref<10112x128xf32, #tpu.memory_space<vmem_shared>> -> memref<10112x128xf32, #tpu.memory_space<vmem_shared>>
        tpu.enqueue_indirect_dma source(%arg12 : memref<128x128xf32, #tpu.memory_space<vmem>>) target(%dma_start3A_231 : memref<10112x128xf32, #tpu.memory_space<vmem_shared>>) offsets(%dma_start3A_228 : memref<128xi32, #tpu.memory_space<vmem>>) semaphore(%run_scoped3A_225 : memref<!tpu.dma_semaphore, #tpu.memory_space<semaphore_mem>>) {add = true}
        %dma_wait3A_232 = arith.constant 0 : i32
        %dma_wait3A_233 = tpu.memref_slice %arg9[%run_scoped3A_136, %dma_wait3A_232] : memref<4x128xi32, #tpu.memory_space<vmem>> -> memref<1x128xi32, #tpu.memory_space<vmem>>
        %dma_wait3A_234 = tpu.memref_squeeze %dma_wait3A_233 : memref<1x128xi32, #tpu.memory_space<vmem>> -> memref<128xi32, #tpu.memory_space<vmem>>
        %dma_wait3A_235 = arith.constant 0 : i32
        %dma_wait3A_236 = arith.constant 0 : i32
        %dma_wait3A_237 = tpu.memref_slice %arg13[%dma_wait3A_235, %dma_wait3A_236] : memref<10112x128xf32, #tpu.memory_space<vmem_shared>> -> memref<10112x128xf32, #tpu.memory_space<vmem_shared>>
        tpu.wait_indirect_dma semaphore(%run_scoped3A_225 : memref<!tpu.dma_semaphore, #tpu.memory_space<semaphore_mem>>) src(%arg12 : memref<128x128xf32, #tpu.memory_space<vmem>>) dst(%dma_wait3A_237 : memref<10112x128xf32, #tpu.memory_space<vmem_shared>>)
        tpu.yield
      }) : () -> ()
      %add3A_137 = arith.constant 1 : i32
      %add3A_138 = arith.addi %mul3A_38, %add3A_137 : i32
      %mul3A_139 = arith.constant 20 : i32
      %mul3A_140 = arith.muli %add3A, %mul3A_139 : i32
      %add3A_141 = arith.addi %mul3A_140, %add3A_138 : i32
      %dma_wait3A_142 = arith.constant 0 : i32
      %dma_wait3A_143 = arith.constant 0 : i32
      %dma_wait3A_144 = tpu.memref_slice %arg3[%add3A_141, %dma_wait3A_142, %dma_wait3A_143] : memref<640x4x128xi32, #tpu.memory_space<hbm>> -> memref<1x4x128xi32, #tpu.memory_space<hbm>>
      %dma_wait3A_145 = tpu.memref_squeeze %dma_wait3A_144 : memref<1x4x128xi32, #tpu.memory_space<hbm>> -> memref<4x128xi32, #tpu.memory_space<hbm>>
      %dma_wait3A_146 = arith.constant 0 : i32
      %dma_wait3A_147 = arith.constant 0 : i32
      %dma_wait3A_148 = tpu.memref_slice %arg3[%add3A_141, %dma_wait3A_146, %dma_wait3A_147] : memref<640x4x128xi32, #tpu.memory_space<hbm>> -> memref<1x4x128xi32, #tpu.memory_space<hbm>>
      %dma_wait3A_149 = tpu.memref_squeeze %dma_wait3A_148 : memref<1x4x128xi32, #tpu.memory_space<hbm>> -> memref<4x128xi32, #tpu.memory_space<hbm>>
      tpu.wait_dma2 semaphore(%arg17 : memref<!tpu.dma_semaphore, #tpu.memory_space<semaphore_mem>>) src(%dma_wait3A_149 : memref<4x128xi32, #tpu.memory_space<hbm>>) dst(%arg8 : memref<4x128xi32, #tpu.memory_space<vmem>>)
      %dma_wait3A_150 = arith.constant 0 : i32
      %dma_wait3A_151 = arith.constant 0 : i32
      %dma_wait3A_152 = tpu.memref_slice %arg4[%add3A_141, %dma_wait3A_150, %dma_wait3A_151] : memref<640x4x128xi32, #tpu.memory_space<hbm>> -> memref<1x4x128xi32, #tpu.memory_space<hbm>>
      %dma_wait3A_153 = tpu.memref_squeeze %dma_wait3A_152 : memref<1x4x128xi32, #tpu.memory_space<hbm>> -> memref<4x128xi32, #tpu.memory_space<hbm>>
      %dma_wait3A_154 = arith.constant 0 : i32
      %dma_wait3A_155 = arith.constant 0 : i32
      %dma_wait3A_156 = tpu.memref_slice %arg4[%add3A_141, %dma_wait3A_154, %dma_wait3A_155] : memref<640x4x128xi32, #tpu.memory_space<hbm>> -> memref<1x4x128xi32, #tpu.memory_space<hbm>>
      %dma_wait3A_157 = tpu.memref_squeeze %dma_wait3A_156 : memref<1x4x128xi32, #tpu.memory_space<hbm>> -> memref<4x128xi32, #tpu.memory_space<hbm>>
      tpu.wait_dma2 semaphore(%arg17 : memref<!tpu.dma_semaphore, #tpu.memory_space<semaphore_mem>>) src(%dma_wait3A_157 : memref<4x128xi32, #tpu.memory_space<hbm>>) dst(%arg10 : memref<4x128xi32, #tpu.memory_space<vmem>>)
      %add3A_158 = arith.constant 2 : i32
      %add3A_159 = arith.addi %mul3A_38, %add3A_158 : i32
      %lt3A = arith.constant 20 : i32
      %lt3A_160 = arith.cmpi slt, %add3A_159, %lt3A : i32
      %convert_element_type3A_161 = arith.extui %lt3A_160 : i1 to i32
      %cond3A_162 = arith.constant 0 : i32
      %cond3A_163 = arith.cmpi ne, %convert_element_type3A_161, %cond3A_162 : i32
      scf.if %cond3A_163 {
        %add3A_225 = arith.constant 2 : i32
        %add3A_226 = arith.addi %mul3A_38, %add3A_225 : i32
        %mul3A_227 = arith.constant 20 : i32
        %mul3A_228 = arith.muli %add3A, %mul3A_227 : i32
        %add3A_229 = arith.addi %mul3A_228, %add3A_226 : i32
        %dma_start3A_230 = arith.constant 0 : i32
        %dma_start3A_231 = arith.constant 0 : i32
        %dma_start3A_232 = tpu.memref_slice %arg3[%add3A_229, %dma_start3A_230, %dma_start3A_231] : memref<640x4x128xi32, #tpu.memory_space<hbm>> -> memref<1x4x128xi32, #tpu.memory_space<hbm>>
        %dma_start3A_233 = tpu.memref_squeeze %dma_start3A_232 : memref<1x4x128xi32, #tpu.memory_space<hbm>> -> memref<4x128xi32, #tpu.memory_space<hbm>>
        %dma_start3A_234 = arith.constant 0 : i32
        %dma_start3A_235 = arith.constant 0 : i32
        %dma_start3A_236 = tpu.memref_slice %arg3[%add3A_229, %dma_start3A_234, %dma_start3A_235] : memref<640x4x128xi32, #tpu.memory_space<hbm>> -> memref<1x4x128xi32, #tpu.memory_space<hbm>>
        %dma_start3A_237 = tpu.memref_squeeze %dma_start3A_236 : memref<1x4x128xi32, #tpu.memory_space<hbm>> -> memref<4x128xi32, #tpu.memory_space<hbm>>
        tpu.enqueue_dma source(%dma_start3A_237 : memref<4x128xi32, #tpu.memory_space<hbm>>) target(%arg7 : memref<4x128xi32, #tpu.memory_space<vmem>>) target_semaphore(%arg16 : memref<!tpu.dma_semaphore, #tpu.memory_space<semaphore_mem>>)
        %dma_start3A_238 = arith.constant 0 : i32
        %dma_start3A_239 = arith.constant 0 : i32
        %dma_start3A_240 = tpu.memref_slice %arg4[%add3A_229, %dma_start3A_238, %dma_start3A_239] : memref<640x4x128xi32, #tpu.memory_space<hbm>> -> memref<1x4x128xi32, #tpu.memory_space<hbm>>
        %dma_start3A_241 = tpu.memref_squeeze %dma_start3A_240 : memref<1x4x128xi32, #tpu.memory_space<hbm>> -> memref<4x128xi32, #tpu.memory_space<hbm>>
        %dma_start3A_242 = arith.constant 0 : i32
        %dma_start3A_243 = arith.constant 0 : i32
        %dma_start3A_244 = tpu.memref_slice %arg4[%add3A_229, %dma_start3A_242, %dma_start3A_243] : memref<640x4x128xi32, #tpu.memory_space<hbm>> -> memref<1x4x128xi32, #tpu.memory_space<hbm>>
        %dma_start3A_245 = tpu.memref_squeeze %dma_start3A_244 : memref<1x4x128xi32, #tpu.memory_space<hbm>> -> memref<4x128xi32, #tpu.memory_space<hbm>>
        tpu.enqueue_dma source(%dma_start3A_245 : memref<4x128xi32, #tpu.memory_space<hbm>>) target(%arg9 : memref<4x128xi32, #tpu.memory_space<vmem>>) target_semaphore(%arg16 : memref<!tpu.dma_semaphore, #tpu.memory_space<semaphore_mem>>)
      } else {
      }
      %dma_start3A_164 = arith.constant 0 : i32
      %dma_start3A_165 = arith.constant 0 : i32
      %dma_start3A_166 = tpu.memref_slice %arg8[%dma_start3A_164, %dma_start3A_165] : memref<4x128xi32, #tpu.memory_space<vmem>> -> memref<1x128xi32, #tpu.memory_space<vmem>>
      %dma_start3A_167 = tpu.memref_squeeze %dma_start3A_166 : memref<1x128xi32, #tpu.memory_space<vmem>> -> memref<128xi32, #tpu.memory_space<vmem>>
      %dma_start3A_168 = arith.constant 0 : i32
      %dma_start3A_169 = arith.constant 0 : i32
      %dma_start3A_170 = tpu.memref_slice %arg2[%dma_start3A_168, %dma_start3A_169] : memref<10000x128xf32, #tpu.memory_space<hbm>> -> memref<10000x128xf32, #tpu.memory_space<hbm>>
      tpu.enqueue_indirect_dma source(%dma_start3A_170 : memref<10000x128xf32, #tpu.memory_space<hbm>>) target(%arg11 : memref<128x128xf32, #tpu.memory_space<vmem>>) offsets(%dma_start3A_167 : memref<128xi32, #tpu.memory_space<vmem>>) semaphore(%arg14 : memref<!tpu.dma_semaphore, #tpu.memory_space<semaphore_mem>>)
      %dma_wait3A_171 = arith.constant 0 : i32
      %dma_wait3A_172 = arith.constant 0 : i32
      %dma_wait3A_173 = tpu.memref_slice %arg8[%dma_wait3A_171, %dma_wait3A_172] : memref<4x128xi32, #tpu.memory_space<vmem>> -> memref<1x128xi32, #tpu.memory_space<vmem>>
      %dma_wait3A_174 = tpu.memref_squeeze %dma_wait3A_173 : memref<1x128xi32, #tpu.memory_space<vmem>> -> memref<128xi32, #tpu.memory_space<vmem>>
      %dma_wait3A_175 = arith.constant 0 : i32
      %dma_wait3A_176 = arith.constant 0 : i32
      %dma_wait3A_177 = tpu.memref_slice %arg2[%dma_wait3A_175, %dma_wait3A_176] : memref<10000x128xf32, #tpu.memory_space<hbm>> -> memref<10000x128xf32, #tpu.memory_space<hbm>>
      tpu.wait_indirect_dma semaphore(%arg14 : memref<!tpu.dma_semaphore, #tpu.memory_space<semaphore_mem>>) src(%dma_wait3A_177 : memref<10000x128xf32, #tpu.memory_space<hbm>>) dst(%arg11 : memref<128x128xf32, #tpu.memory_space<vmem>>)
      %dma_start3A_178 = arith.constant 1 : i32
      %dma_start3A_179 = arith.constant 0 : i32
      %dma_start3A_180 = tpu.memref_slice %arg8[%dma_start3A_178, %dma_start3A_179] : memref<4x128xi32, #tpu.memory_space<vmem>> -> memref<1x128xi32, #tpu.memory_space<vmem>>
      %dma_start3A_181 = tpu.memref_squeeze %dma_start3A_180 : memref<1x128xi32, #tpu.memory_space<vmem>> -> memref<128xi32, #tpu.memory_space<vmem>>
      %dma_start3A_182 = arith.constant 0 : i32
      %dma_start3A_183 = arith.constant 0 : i32
      %dma_start3A_184 = tpu.memref_slice %arg2[%dma_start3A_182, %dma_start3A_183] : memref<10000x128xf32, #tpu.memory_space<hbm>> -> memref<10000x128xf32, #tpu.memory_space<hbm>>
      tpu.enqueue_indirect_dma source(%dma_start3A_184 : memref<10000x128xf32, #tpu.memory_space<hbm>>) target(%arg12 : memref<128x128xf32, #tpu.memory_space<vmem>>) offsets(%dma_start3A_181 : memref<128xi32, #tpu.memory_space<vmem>>) semaphore(%arg15 : memref<!tpu.dma_semaphore, #tpu.memory_space<semaphore_mem>>)
      %run_scoped3A_185 = arith.constant 0 : i32
      "tpu.region"() ({
        %run_scoped3A_225 = tpu.sem_alloc : memref<!tpu.dma_semaphore, #tpu.memory_space<semaphore_mem>>
        %dma_start3A_226 = arith.constant 0 : i32
        %dma_start3A_227 = tpu.memref_slice %arg10[%run_scoped3A_185, %dma_start3A_226] : memref<4x128xi32, #tpu.memory_space<vmem>> -> memref<1x128xi32, #tpu.memory_space<vmem>>
        %dma_start3A_228 = tpu.memref_squeeze %dma_start3A_227 : memref<1x128xi32, #tpu.memory_space<vmem>> -> memref<128xi32, #tpu.memory_space<vmem>>
        %dma_start3A_229 = arith.constant 0 : i32
        %dma_start3A_230 = arith.constant 0 : i32
        %dma_start3A_231 = tpu.memref_slice %arg13[%dma_start3A_229, %dma_start3A_230] : memref<10112x128xf32, #tpu.memory_space<vmem_shared>> -> memref<10112x128xf32, #tpu.memory_space<vmem_shared>>
        tpu.enqueue_indirect_dma source(%arg11 : memref<128x128xf32, #tpu.memory_space<vmem>>) target(%dma_start3A_231 : memref<10112x128xf32, #tpu.memory_space<vmem_shared>>) offsets(%dma_start3A_228 : memref<128xi32, #tpu.memory_space<vmem>>) semaphore(%run_scoped3A_225 : memref<!tpu.dma_semaphore, #tpu.memory_space<semaphore_mem>>) {add = true}
        %dma_wait3A_232 = arith.constant 0 : i32
        %dma_wait3A_233 = tpu.memref_slice %arg10[%run_scoped3A_185, %dma_wait3A_232] : memref<4x128xi32, #tpu.memory_space<vmem>> -> memref<1x128xi32, #tpu.memory_space<vmem>>
        %dma_wait3A_234 = tpu.memref_squeeze %dma_wait3A_233 : memref<1x128xi32, #tpu.memory_space<vmem>> -> memref<128xi32, #tpu.memory_space<vmem>>
        %dma_wait3A_235 = arith.constant 0 : i32
        %dma_wait3A_236 = arith.constant 0 : i32
        %dma_wait3A_237 = tpu.memref_slice %arg13[%dma_wait3A_235, %dma_wait3A_236] : memref<10112x128xf32, #tpu.memory_space<vmem_shared>> -> memref<10112x128xf32, #tpu.memory_space<vmem_shared>>
        tpu.wait_indirect_dma semaphore(%run_scoped3A_225 : memref<!tpu.dma_semaphore, #tpu.memory_space<semaphore_mem>>) src(%arg11 : memref<128x128xf32, #tpu.memory_space<vmem>>) dst(%dma_wait3A_237 : memref<10112x128xf32, #tpu.memory_space<vmem_shared>>)
        tpu.yield
      }) : () -> ()
      %dma_wait3A_186 = arith.constant 1 : i32
      %dma_wait3A_187 = arith.constant 0 : i32
      %dma_wait3A_188 = tpu.memref_slice %arg8[%dma_wait3A_186, %dma_wait3A_187] : memref<4x128xi32, #tpu.memory_space<vmem>> -> memref<1x128xi32, #tpu.memory_space<vmem>>
      %dma_wait3A_189 = tpu.memref_squeeze %dma_wait3A_188 : memref<1x128xi32, #tpu.memory_space<vmem>> -> memref<128xi32, #tpu.memory_space<vmem>>
      %dma_wait3A_190 = arith.constant 0 : i32
      %dma_wait3A_191 = arith.constant 0 : i32
      %dma_wait3A_192 = tpu.memref_slice %arg2[%dma_wait3A_190, %dma_wait3A_191] : memref<10000x128xf32, #tpu.memory_space<hbm>> -> memref<10000x128xf32, #tpu.memory_space<hbm>>
      tpu.wait_indirect_dma semaphore(%arg15 : memref<!tpu.dma_semaphore, #tpu.memory_space<semaphore_mem>>) src(%dma_wait3A_192 : memref<10000x128xf32, #tpu.memory_space<hbm>>) dst(%arg12 : memref<128x128xf32, #tpu.memory_space<vmem>>)
      %dma_start3A_193 = arith.constant 2 : i32
      %dma_start3A_194 = arith.constant 0 : i32
      %dma_start3A_195 = tpu.memref_slice %arg8[%dma_start3A_193, %dma_start3A_194] : memref<4x128xi32, #tpu.memory_space<vmem>> -> memref<1x128xi32, #tpu.memory_space<vmem>>
      %dma_start3A_196 = tpu.memref_squeeze %dma_start3A_195 : memref<1x128xi32, #tpu.memory_space<vmem>> -> memref<128xi32, #tpu.memory_space<vmem>>
      %dma_start3A_197 = arith.constant 0 : i32
      %dma_start3A_198 = arith.constant 0 : i32
      %dma_start3A_199 = tpu.memref_slice %arg2[%dma_start3A_197, %dma_start3A_198] : memref<10000x128xf32, #tpu.memory_space<hbm>> -> memref<10000x128xf32, #tpu.memory_space<hbm>>
      tpu.enqueue_indirect_dma source(%dma_start3A_199 : memref<10000x128xf32, #tpu.memory_space<hbm>>) target(%arg11 : memref<128x128xf32, #tpu.memory_space<vmem>>) offsets(%dma_start3A_196 : memref<128xi32, #tpu.memory_space<vmem>>) semaphore(%arg14 : memref<!tpu.dma_semaphore, #tpu.memory_space<semaphore_mem>>)
      %run_scoped3A_200 = arith.constant 1 : i32
      "tpu.region"() ({
        %run_scoped3A_225 = tpu.sem_alloc : memref<!tpu.dma_semaphore, #tpu.memory_space<semaphore_mem>>
        %dma_start3A_226 = arith.constant 0 : i32
        %dma_start3A_227 = tpu.memref_slice %arg10[%run_scoped3A_200, %dma_start3A_226] : memref<4x128xi32, #tpu.memory_space<vmem>> -> memref<1x128xi32, #tpu.memory_space<vmem>>
        %dma_start3A_228 = tpu.memref_squeeze %dma_start3A_227 : memref<1x128xi32, #tpu.memory_space<vmem>> -> memref<128xi32, #tpu.memory_space<vmem>>
        %dma_start3A_229 = arith.constant 0 : i32
        %dma_start3A_230 = arith.constant 0 : i32
        %dma_start3A_231 = tpu.memref_slice %arg13[%dma_start3A_229, %dma_start3A_230] : memref<10112x128xf32, #tpu.memory_space<vmem_shared>> -> memref<10112x128xf32, #tpu.memory_space<vmem_shared>>
        tpu.enqueue_indirect_dma source(%arg12 : memref<128x128xf32, #tpu.memory_space<vmem>>) target(%dma_start3A_231 : memref<10112x128xf32, #tpu.memory_space<vmem_shared>>) offsets(%dma_start3A_228 : memref<128xi32, #tpu.memory_space<vmem>>) semaphore(%run_scoped3A_225 : memref<!tpu.dma_semaphore, #tpu.memory_space<semaphore_mem>>) {add = true}
        %dma_wait3A_232 = arith.constant 0 : i32
        %dma_wait3A_233 = tpu.memref_slice %arg10[%run_scoped3A_200, %dma_wait3A_232] : memref<4x128xi32, #tpu.memory_space<vmem>> -> memref<1x128xi32, #tpu.memory_space<vmem>>
        %dma_wait3A_234 = tpu.memref_squeeze %dma_wait3A_233 : memref<1x128xi32, #tpu.memory_space<vmem>> -> memref<128xi32, #tpu.memory_space<vmem>>
        %dma_wait3A_235 = arith.constant 0 : i32
        %dma_wait3A_236 = arith.constant 0 : i32
        %dma_wait3A_237 = tpu.memref_slice %arg13[%dma_wait3A_235, %dma_wait3A_236] : memref<10112x128xf32, #tpu.memory_space<vmem_shared>> -> memref<10112x128xf32, #tpu.memory_space<vmem_shared>>
        tpu.wait_indirect_dma semaphore(%run_scoped3A_225 : memref<!tpu.dma_semaphore, #tpu.memory_space<semaphore_mem>>) src(%arg12 : memref<128x128xf32, #tpu.memory_space<vmem>>) dst(%dma_wait3A_237 : memref<10112x128xf32, #tpu.memory_space<vmem_shared>>)
        tpu.yield
      }) : () -> ()
      %dma_wait3A_201 = arith.constant 2 : i32
      %dma_wait3A_202 = arith.constant 0 : i32
      %dma_wait3A_203 = tpu.memref_slice %arg8[%dma_wait3A_201, %dma_wait3A_202] : memref<4x128xi32, #tpu.memory_space<vmem>> -> memref<1x128xi32, #tpu.memory_space<vmem>>
      %dma_wait3A_204 = tpu.memref_squeeze %dma_wait3A_203 : memref<1x128xi32, #tpu.memory_space<vmem>> -> memref<128xi32, #tpu.memory_space<vmem>>
      %dma_wait3A_205 = arith.constant 0 : i32
      %dma_wait3A_206 = arith.constant 0 : i32
      %dma_wait3A_207 = tpu.memref_slice %arg2[%dma_wait3A_205, %dma_wait3A_206] : memref<10000x128xf32, #tpu.memory_space<hbm>> -> memref<10000x128xf32, #tpu.memory_space<hbm>>
      tpu.wait_indirect_dma semaphore(%arg14 : memref<!tpu.dma_semaphore, #tpu.memory_space<semaphore_mem>>) src(%dma_wait3A_207 : memref<10000x128xf32, #tpu.memory_space<hbm>>) dst(%arg11 : memref<128x128xf32, #tpu.memory_space<vmem>>)
      %dma_start3A_208 = arith.constant 3 : i32
      %dma_start3A_209 = arith.constant 0 : i32
      %dma_start3A_210 = tpu.memref_slice %arg8[%dma_start3A_208, %dma_start3A_209] : memref<4x128xi32, #tpu.memory_space<vmem>> -> memref<1x128xi32, #tpu.memory_space<vmem>>
      %dma_start3A_211 = tpu.memref_squeeze %dma_start3A_210 : memref<1x128xi32, #tpu.memory_space<vmem>> -> memref<128xi32, #tpu.memory_space<vmem>>
      %dma_start3A_212 = arith.constant 0 : i32
      %dma_start3A_213 = arith.constant 0 : i32
      %dma_start3A_214 = tpu.memref_slice %arg2[%dma_start3A_212, %dma_start3A_213] : memref<10000x128xf32, #tpu.memory_space<hbm>> -> memref<10000x128xf32, #tpu.memory_space<hbm>>
      tpu.enqueue_indirect_dma source(%dma_start3A_214 : memref<10000x128xf32, #tpu.memory_space<hbm>>) target(%arg12 : memref<128x128xf32, #tpu.memory_space<vmem>>) offsets(%dma_start3A_211 : memref<128xi32, #tpu.memory_space<vmem>>) semaphore(%arg15 : memref<!tpu.dma_semaphore, #tpu.memory_space<semaphore_mem>>)
      %run_scoped3A_215 = arith.constant 2 : i32
      "tpu.region"() ({
        %run_scoped3A_225 = tpu.sem_alloc : memref<!tpu.dma_semaphore, #tpu.memory_space<semaphore_mem>>
        %dma_start3A_226 = arith.constant 0 : i32
        %dma_start3A_227 = tpu.memref_slice %arg10[%run_scoped3A_215, %dma_start3A_226] : memref<4x128xi32, #tpu.memory_space<vmem>> -> memref<1x128xi32, #tpu.memory_space<vmem>>
        %dma_start3A_228 = tpu.memref_squeeze %dma_start3A_227 : memref<1x128xi32, #tpu.memory_space<vmem>> -> memref<128xi32, #tpu.memory_space<vmem>>
        %dma_start3A_229 = arith.constant 0 : i32
        %dma_start3A_230 = arith.constant 0 : i32
        %dma_start3A_231 = tpu.memref_slice %arg13[%dma_start3A_229, %dma_start3A_230] : memref<10112x128xf32, #tpu.memory_space<vmem_shared>> -> memref<10112x128xf32, #tpu.memory_space<vmem_shared>>
        tpu.enqueue_indirect_dma source(%arg11 : memref<128x128xf32, #tpu.memory_space<vmem>>) target(%dma_start3A_231 : memref<10112x128xf32, #tpu.memory_space<vmem_shared>>) offsets(%dma_start3A_228 : memref<128xi32, #tpu.memory_space<vmem>>) semaphore(%run_scoped3A_225 : memref<!tpu.dma_semaphore, #tpu.memory_space<semaphore_mem>>) {add = true}
        %dma_wait3A_232 = arith.constant 0 : i32
        %dma_wait3A_233 = tpu.memref_slice %arg10[%run_scoped3A_215, %dma_wait3A_232] : memref<4x128xi32, #tpu.memory_space<vmem>> -> memref<1x128xi32, #tpu.memory_space<vmem>>
        %dma_wait3A_234 = tpu.memref_squeeze %dma_wait3A_233 : memref<1x128xi32, #tpu.memory_space<vmem>> -> memref<128xi32, #tpu.memory_space<vmem>>
        %dma_wait3A_235 = arith.constant 0 : i32
        %dma_wait3A_236 = arith.constant 0 : i32
        %dma_wait3A_237 = tpu.memref_slice %arg13[%dma_wait3A_235, %dma_wait3A_236] : memref<10112x128xf32, #tpu.memory_space<vmem_shared>> -> memref<10112x128xf32, #tpu.memory_space<vmem_shared>>
        tpu.wait_indirect_dma semaphore(%run_scoped3A_225 : memref<!tpu.dma_semaphore, #tpu.memory_space<semaphore_mem>>) src(%arg11 : memref<128x128xf32, #tpu.memory_space<vmem>>) dst(%dma_wait3A_237 : memref<10112x128xf32, #tpu.memory_space<vmem_shared>>)
        tpu.yield
      }) : () -> ()
      %dma_wait3A_216 = arith.constant 3 : i32
      %dma_wait3A_217 = arith.constant 0 : i32
      %dma_wait3A_218 = tpu.memref_slice %arg8[%dma_wait3A_216, %dma_wait3A_217] : memref<4x128xi32, #tpu.memory_space<vmem>> -> memref<1x128xi32, #tpu.memory_space<vmem>>
      %dma_wait3A_219 = tpu.memref_squeeze %dma_wait3A_218 : memref<1x128xi32, #tpu.memory_space<vmem>> -> memref<128xi32, #tpu.memory_space<vmem>>
      %dma_wait3A_220 = arith.constant 0 : i32
      %dma_wait3A_221 = arith.constant 0 : i32
      %dma_wait3A_222 = tpu.memref_slice %arg2[%dma_wait3A_220, %dma_wait3A_221] : memref<10000x128xf32, #tpu.memory_space<hbm>> -> memref<10000x128xf32, #tpu.memory_space<hbm>>
      tpu.wait_indirect_dma semaphore(%arg15 : memref<!tpu.dma_semaphore, #tpu.memory_space<semaphore_mem>>) src(%dma_wait3A_222 : memref<10000x128xf32, #tpu.memory_space<hbm>>) dst(%arg12 : memref<128x128xf32, #tpu.memory_space<vmem>>)
      %run_scoped3A_223 = arith.constant 3 : i32
      "tpu.region"() ({
        %run_scoped3A_225 = tpu.sem_alloc : memref<!tpu.dma_semaphore, #tpu.memory_space<semaphore_mem>>
        %dma_start3A_226 = arith.constant 0 : i32
        %dma_start3A_227 = tpu.memref_slice %arg10[%run_scoped3A_223, %dma_start3A_226] : memref<4x128xi32, #tpu.memory_space<vmem>> -> memref<1x128xi32, #tpu.memory_space<vmem>>
        %dma_start3A_228 = tpu.memref_squeeze %dma_start3A_227 : memref<1x128xi32, #tpu.memory_space<vmem>> -> memref<128xi32, #tpu.memory_space<vmem>>
        %dma_start3A_229 = arith.constant 0 : i32
        %dma_start3A_230 = arith.constant 0 : i32
        %dma_start3A_231 = tpu.memref_slice %arg13[%dma_start3A_229, %dma_start3A_230] : memref<10112x128xf32, #tpu.memory_space<vmem_shared>> -> memref<10112x128xf32, #tpu.memory_space<vmem_shared>>
        tpu.enqueue_indirect_dma source(%arg12 : memref<128x128xf32, #tpu.memory_space<vmem>>) target(%dma_start3A_231 : memref<10112x128xf32, #tpu.memory_space<vmem_shared>>) offsets(%dma_start3A_228 : memref<128xi32, #tpu.memory_space<vmem>>) semaphore(%run_scoped3A_225 : memref<!tpu.dma_semaphore, #tpu.memory_space<semaphore_mem>>) {add = true}
        %dma_wait3A_232 = arith.constant 0 : i32
        %dma_wait3A_233 = tpu.memref_slice %arg10[%run_scoped3A_223, %dma_wait3A_232] : memref<4x128xi32, #tpu.memory_space<vmem>> -> memref<1x128xi32, #tpu.memory_space<vmem>>
        %dma_wait3A_234 = tpu.memref_squeeze %dma_wait3A_233 : memref<1x128xi32, #tpu.memory_space<vmem>> -> memref<128xi32, #tpu.memory_space<vmem>>
        %dma_wait3A_235 = arith.constant 0 : i32
        %dma_wait3A_236 = arith.constant 0 : i32
        %dma_wait3A_237 = tpu.memref_slice %arg13[%dma_wait3A_235, %dma_wait3A_236] : memref<10112x128xf32, #tpu.memory_space<vmem_shared>> -> memref<10112x128xf32, #tpu.memory_space<vmem_shared>>
        tpu.wait_indirect_dma semaphore(%run_scoped3A_225 : memref<!tpu.dma_semaphore, #tpu.memory_space<semaphore_mem>>) src(%arg12 : memref<128x128xf32, #tpu.memory_space<vmem>>) dst(%dma_wait3A_237 : memref<10112x128xf32, #tpu.memory_space<vmem_shared>>)
        tpu.yield
      }) : () -> ()
      %scan3A_224 = arith.constant 0 : i32
      scf.yield %scan3A_224 : i32
    }
    %scan3A_27 = arith.constant 10 : i32
    %barrier3A_28 = arith.constant 0 : index
    tpu.barrier barrier_id(%barrier3A_28)
    %mul3A_29 = arith.constant 624 : i32
    %mul3A_30 = arith.muli %arg1, %mul3A_29 : i32
    %mul3A_31 = arith.constant 624 : i32
    %mul3A_32 = arith.muli %arg1, %mul3A_31 : i32
    "tpu.region"() ({
      %run_scoped3A = tpu.sem_alloc : memref<!tpu.dma_semaphore, #tpu.memory_space<semaphore_mem>>
      %dma_start3A_35 = arith.constant 0 : i32
      %dma_start3A_36 = tpu.memref_slice %arg6[%arg0, %mul3A_32, %dma_start3A_35] : memref<2x10000x128xf32, #tpu.memory_space<hbm>> -> memref<1x624x128xf32, #tpu.memory_space<hbm>>
      %dma_start3A_37 = tpu.memref_squeeze %dma_start3A_36 : memref<1x624x128xf32, #tpu.memory_space<hbm>> -> memref<624x128xf32, #tpu.memory_space<hbm>>
      %dma_start3A_38 = arith.constant 0 : i32
      %dma_start3A_39 = tpu.memref_slice %arg13[%mul3A_30, %dma_start3A_38] : memref<10112x128xf32, #tpu.memory_space<vmem_shared>> -> memref<624x128xf32, #tpu.memory_space<vmem_shared>>
      tpu.enqueue_dma source(%dma_start3A_39 : memref<624x128xf32, #tpu.memory_space<vmem_shared>>) target(%dma_start3A_37 : memref<624x128xf32, #tpu.memory_space<hbm>>) target_semaphore(%run_scoped3A : memref<!tpu.dma_semaphore, #tpu.memory_space<semaphore_mem>>)
      %dma_wait3A = arith.constant 0 : i32
      %dma_wait3A_40 = tpu.memref_slice %arg6[%arg0, %mul3A_32, %dma_wait3A] : memref<2x10000x128xf32, #tpu.memory_space<hbm>> -> memref<1x624x128xf32, #tpu.memory_space<hbm>>
      %dma_wait3A_41 = tpu.memref_squeeze %dma_wait3A_40 : memref<1x624x128xf32, #tpu.memory_space<hbm>> -> memref<624x128xf32, #tpu.memory_space<hbm>>
      %dma_wait3A_42 = arith.constant 0 : i32
      %dma_wait3A_43 = tpu.memref_slice %arg13[%mul3A_30, %dma_wait3A_42] : memref<10112x128xf32, #tpu.memory_space<vmem_shared>> -> memref<624x128xf32, #tpu.memory_space<vmem_shared>>
      tpu.wait_dma2 semaphore(%run_scoped3A : memref<!tpu.dma_semaphore, #tpu.memory_space<semaphore_mem>>) src(%dma_wait3A_43 : memref<624x128xf32, #tpu.memory_space<vmem_shared>>) dst(%dma_wait3A_41 : memref<624x128xf32, #tpu.memory_space<hbm>>)
      tpu.yield
    }) : () -> ()
    %eq3A = arith.constant 15 : i32
    %eq3A_33 = arith.cmpi eq, %arg1, %eq3A : i32
    %convert_element_type3A = arith.extui %eq3A_33 : i1 to i32
    %cond3A = arith.constant 0 : i32
    %cond3A_34 = arith.cmpi ne, %convert_element_type3A, %cond3A : i32
    scf.if %cond3A_34 {
      "tpu.region"() ({
        %run_scoped3A = tpu.sem_alloc : memref<!tpu.dma_semaphore, #tpu.memory_space<semaphore_mem>>
        %dma_start3A_35 = arith.constant 9984 : i32
        %dma_start3A_36 = arith.constant 0 : i32
        %dma_start3A_37 = tpu.memref_slice %arg6[%arg0, %dma_start3A_35, %dma_start3A_36] : memref<2x10000x128xf32, #tpu.memory_space<hbm>> -> memref<1x16x128xf32, #tpu.memory_space<hbm>>
        %dma_start3A_38 = tpu.memref_squeeze %dma_start3A_37 : memref<1x16x128xf32, #tpu.memory_space<hbm>> -> memref<16x128xf32, #tpu.memory_space<hbm>>
        %dma_start3A_39 = arith.constant 9984 : i32
        %dma_start3A_40 = arith.constant 0 : i32
        %dma_start3A_41 = tpu.memref_slice %arg13[%dma_start3A_39, %dma_start3A_40] : memref<10112x128xf32, #tpu.memory_space<vmem_shared>> -> memref<16x128xf32, #tpu.memory_space<vmem_shared>>
        tpu.enqueue_dma source(%dma_start3A_41 : memref<16x128xf32, #tpu.memory_space<vmem_shared>>) target(%dma_start3A_38 : memref<16x128xf32, #tpu.memory_space<hbm>>) target_semaphore(%run_scoped3A : memref<!tpu.dma_semaphore, #tpu.memory_space<semaphore_mem>>)
        %dma_wait3A = arith.constant 9984 : i32
        %dma_wait3A_42 = arith.constant 0 : i32
        %dma_wait3A_43 = tpu.memref_slice %arg6[%arg0, %dma_wait3A, %dma_wait3A_42] : memref<2x10000x128xf32, #tpu.memory_space<hbm>> -> memref<1x16x128xf32, #tpu.memory_space<hbm>>
        %dma_wait3A_44 = tpu.memref_squeeze %dma_wait3A_43 : memref<1x16x128xf32, #tpu.memory_space<hbm>> -> memref<16x128xf32, #tpu.memory_space<hbm>>
        %dma_wait3A_45 = arith.constant 9984 : i32
        %dma_wait3A_46 = arith.constant 0 : i32
        %dma_wait3A_47 = tpu.memref_slice %arg13[%dma_wait3A_45, %dma_wait3A_46] : memref<10112x128xf32, #tpu.memory_space<vmem_shared>> -> memref<16x128xf32, #tpu.memory_space<vmem_shared>>
        tpu.wait_dma2 semaphore(%run_scoped3A : memref<!tpu.dma_semaphore, #tpu.memory_space<semaphore_mem>>) src(%dma_wait3A_47 : memref<16x128xf32, #tpu.memory_space<vmem_shared>>) dst(%dma_wait3A_44 : memref<16x128xf32, #tpu.memory_space<hbm>>)
        tpu.yield
      }) : () -> ()
    } else {
    }
    return
  }
}

#map = affine_map<(d0, d1) -> (0, 0)>
#map1 = affine_map<(d0, d1) -> (0, 0, 0)>
module attributes {stable_mosaic.version = 14 : i64} {
  func.func @_seg_sum_sc(%arg0: i32, %arg1: i32, %arg2: memref<10000x128xf32, #tpu.memory_space<hbm>>, %arg3: memref<640x4x128xi32, #tpu.memory_space<hbm>>, %arg4: memref<640x4x128xi32, #tpu.memory_space<hbm>>, %arg5: memref<632x128xf32, #tpu.memory_space<hbm>>, %arg6: memref<2x10000x128xf32, #tpu.memory_space<hbm>>, %arg7: memref<4x128xi32, #tpu.memory_space<vmem>>, %arg8: memref<4x128xi32, #tpu.memory_space<vmem>>, %arg9: memref<4x128xi32, #tpu.memory_space<vmem>>, %arg10: memref<4x128xi32, #tpu.memory_space<vmem>>, %arg11: memref<128x128xf32, #tpu.memory_space<vmem>>, %arg12: memref<128x128xf32, #tpu.memory_space<vmem>>, %arg13: memref<10112x128xf32, #tpu.memory_space<vmem_shared>>, %arg14: memref<!tpu.dma_semaphore, #tpu.memory_space<semaphore_mem>>, %arg15: memref<!tpu.dma_semaphore, #tpu.memory_space<semaphore_mem>>, %arg16: memref<!tpu.dma_semaphore, #tpu.memory_space<semaphore_mem>>, %arg17: memref<!tpu.dma_semaphore, #tpu.memory_space<semaphore_mem>>) attributes {dimension_semantics = [#tpu.dimension_semantics<core_parallel>, #tpu.dimension_semantics<subcore_parallel>], iteration_bounds = array<i64: 2, 16>, scalar_prefetch = 0 : i64, scratch_operands = 11 : i64, tpu.core_type = #tpu.core_type<sc_vector_subcore>, window_params = [{transform_indices = #map}, {transform_indices = #map1}, {transform_indices = #map1}, {transform_indices = #map}, {transform_indices = #map1}]} {
    %mul3A = arith.constant 2 : i32
    %mul3A_0 = arith.muli %arg1, %mul3A : i32
    %add3A = arith.addi %mul3A_0, %arg0 : i32
    %mul3A_1 = arith.constant 632 : i32
    %mul3A_2 = arith.muli %arg1, %mul3A_1 : i32
    "tpu.region"() ({
      %run_scoped3A = tpu.sem_alloc : memref<!tpu.dma_semaphore, #tpu.memory_space<semaphore_mem>>
      %dma_start3A_35 = arith.constant 0 : i32
      %dma_start3A_36 = tpu.memref_slice %arg13[%mul3A_2, %dma_start3A_35] : memref<10112x128xf32, #tpu.memory_space<vmem_shared>> -> memref<632x128xf32, #tpu.memory_space<vmem_shared>>
      tpu.enqueue_dma source(%arg5 : memref<632x128xf32, #tpu.memory_space<hbm>>) target(%dma_start3A_36 : memref<632x128xf32, #tpu.memory_space<vmem_shared>>) target_semaphore(%run_scoped3A : memref<!tpu.dma_semaphore, #tpu.memory_space<semaphore_mem>>)
      %dma_wait3A = arith.constant 0 : i32
      %dma_wait3A_37 = tpu.memref_slice %arg13[%mul3A_2, %dma_wait3A] : memref<10112x128xf32, #tpu.memory_space<vmem_shared>> -> memref<632x128xf32, #tpu.memory_space<vmem_shared>>
      tpu.wait_dma2 semaphore(%run_scoped3A : memref<!tpu.dma_semaphore, #tpu.memory_space<semaphore_mem>>) src(%arg5 : memref<632x128xf32, #tpu.memory_space<hbm>>) dst(%dma_wait3A_37 : memref<632x128xf32, #tpu.memory_space<vmem_shared>>)
      tpu.yield
    }) : () -> ()
    %barrier3A = arith.constant 0 : index
    tpu.barrier barrier_id(%barrier3A)
    %mul3A_3 = arith.constant 20 : i32
    %mul3A_4 = arith.muli %add3A, %mul3A_3 : i32
    %add3A_5 = arith.constant 0 : i32
    %add3A_6 = arith.addi %mul3A_4, %add3A_5 : i32
    %dma_start3A = arith.constant 0 : i32
    %dma_start3A_7 = arith.constant 0 : i32
    %dma_start3A_8 = tpu.memref_slice %arg3[%add3A_6, %dma_start3A, %dma_start3A_7] : memref<640x4x128xi32, #tpu.memory_space<hbm>> -> memref<1x4x128xi32, #tpu.memory_space<hbm>>
    %dma_start3A_9 = tpu.memref_squeeze %dma_start3A_8 : memref<1x4x128xi32, #tpu.memory_space<hbm>> -> memref<4x128xi32, #tpu.memory_space<hbm>>
    %dma_start3A_10 = arith.constant 0 : i32
    %dma_start3A_11 = arith.constant 0 : i32
    %dma_start3A_12 = tpu.memref_slice %arg3[%add3A_6, %dma_start3A_10, %dma_start3A_11] : memref<640x4x128xi32, #tpu.memory_space<hbm>> -> memref<1x4x128xi32, #tpu.memory_space<hbm>>
    %dma_start3A_13 = tpu.memref_squeeze %dma_start3A_12 : memref<1x4x128xi32, #tpu.memory_space<hbm>> -> memref<4x128xi32, #tpu.memory_space<hbm>>
    tpu.enqueue_dma source(%dma_start3A_13 : memref<4x128xi32, #tpu.memory_space<hbm>>) target(%arg7 : memref<4x128xi32, #tpu.memory_space<vmem>>) target_semaphore(%arg16 : memref<!tpu.dma_semaphore, #tpu.memory_space<semaphore_mem>>)
    %dma_start3A_14 = arith.constant 0 : i32
    %dma_start3A_15 = arith.constant 0 : i32
    %dma_start3A_16 = tpu.memref_slice %arg4[%add3A_6, %dma_start3A_14, %dma_start3A_15] : memref<640x4x128xi32, #tpu.memory_space<hbm>> -> memref<1x4x128xi32, #tpu.memory_space<hbm>>
    %dma_start3A_17 = tpu.memref_squeeze %dma_start3A_16 : memref<1x4x128xi32, #tpu.memory_space<hbm>> -> memref<4x128xi32, #tpu.memory_space<hbm>>
    %dma_start3A_18 = arith.constant 0 : i32
    %dma_start3A_19 = arith.constant 0 : i32
    %dma_start3A_20 = tpu.memref_slice %arg4[%add3A_6, %dma_start3A_18, %dma_start3A_19] : memref<640x4x128xi32, #tpu.memory_space<hbm>> -> memref<1x4x128xi32, #tpu.memory_space<hbm>>
    %dma_start3A_21 = tpu.memref_squeeze %dma_start3A_20 : memref<1x4x128xi32, #tpu.memory_space<hbm>> -> memref<4x128xi32, #tpu.memory_space<hbm>>
    tpu.enqueue_dma source(%dma_start3A_21 : memref<4x128xi32, #tpu.memory_space<hbm>>) target(%arg9 : memref<4x128xi32, #tpu.memory_space<vmem>>) target_semaphore(%arg16 : memref<!tpu.dma_semaphore, #tpu.memory_space<semaphore_mem>>)
    %scan3A = arith.constant 0 : i32
    %scan3A_22 = arith.constant 0 : i32
    %scan3A_23 = arith.constant 10 : i32
    %scan3A_24 = arith.addi %scan3A_22, %scan3A_23 : i32
    %scan3A_25 = arith.constant 1 : i32
    %scan3A_26 = scf.for %scan3A_35 = %scan3A_22 to %scan3A_24 step %scan3A_25 iter_args(%scan3A_36 = %scan3A) -> (i32)  : i32 {
      %mul3A_37 = arith.constant 2 : i32
      %mul3A_38 = arith.muli %mul3A_37, %scan3A_35 : i32
      %mul3A_39 = arith.constant 20 : i32
      %mul3A_40 = arith.muli %add3A, %mul3A_39 : i32
      %add3A_41 = arith.addi %mul3A_40, %mul3A_38 : i32
      %dma_wait3A = arith.constant 0 : i32
      %dma_wait3A_42 = arith.constant 0 : i32
      %dma_wait3A_43 = tpu.memref_slice %arg3[%add3A_41, %dma_wait3A, %dma_wait3A_42] : memref<640x4x128xi32, #tpu.memory_space<hbm>> -> memref<1x4x128xi32, #tpu.memory_space<hbm>>
      %dma_wait3A_44 = tpu.memref_squeeze %dma_wait3A_43 : memref<1x4x128xi32, #tpu.memory_space<hbm>> -> memref<4x128xi32, #tpu.memory_space<hbm>>
      %dma_wait3A_45 = arith.constant 0 : i32
      %dma_wait3A_46 = arith.constant 0 : i32
      %dma_wait3A_47 = tpu.memref_slice %arg3[%add3A_41, %dma_wait3A_45, %dma_wait3A_46] : memref<640x4x128xi32, #tpu.memory_space<hbm>> -> memref<1x4x128xi32, #tpu.memory_space<hbm>>
      %dma_wait3A_48 = tpu.memref_squeeze %dma_wait3A_47 : memref<1x4x128xi32, #tpu.memory_space<hbm>> -> memref<4x128xi32, #tpu.memory_space<hbm>>
      tpu.wait_dma2 semaphore(%arg16 : memref<!tpu.dma_semaphore, #tpu.memory_space<semaphore_mem>>) src(%dma_wait3A_48 : memref<4x128xi32, #tpu.memory_space<hbm>>) dst(%arg7 : memref<4x128xi32, #tpu.memory_space<vmem>>)
      %dma_wait3A_49 = arith.constant 0 : i32
      %dma_wait3A_50 = arith.constant 0 : i32
      %dma_wait3A_51 = tpu.memref_slice %arg4[%add3A_41, %dma_wait3A_49, %dma_wait3A_50] : memref<640x4x128xi32, #tpu.memory_space<hbm>> -> memref<1x4x128xi32, #tpu.memory_space<hbm>>
      %dma_wait3A_52 = tpu.memref_squeeze %dma_wait3A_51 : memref<1x4x128xi32, #tpu.memory_space<hbm>> -> memref<4x128xi32, #tpu.memory_space<hbm>>
      %dma_wait3A_53 = arith.constant 0 : i32
      %dma_wait3A_54 = arith.constant 0 : i32
      %dma_wait3A_55 = tpu.memref_slice %arg4[%add3A_41, %dma_wait3A_53, %dma_wait3A_54] : memref<640x4x128xi32, #tpu.memory_space<hbm>> -> memref<1x4x128xi32, #tpu.memory_space<hbm>>
      %dma_wait3A_56 = tpu.memref_squeeze %dma_wait3A_55 : memref<1x4x128xi32, #tpu.memory_space<hbm>> -> memref<4x128xi32, #tpu.memory_space<hbm>>
      tpu.wait_dma2 semaphore(%arg16 : memref<!tpu.dma_semaphore, #tpu.memory_space<semaphore_mem>>) src(%dma_wait3A_56 : memref<4x128xi32, #tpu.memory_space<hbm>>) dst(%arg9 : memref<4x128xi32, #tpu.memory_space<vmem>>)
      %add3A_57 = arith.constant 1 : i32
      %add3A_58 = arith.addi %mul3A_38, %add3A_57 : i32
      %mul3A_59 = arith.constant 20 : i32
      %mul3A_60 = arith.muli %add3A, %mul3A_59 : i32
      %add3A_61 = arith.addi %mul3A_60, %add3A_58 : i32
      %dma_start3A_62 = arith.constant 0 : i32
      %dma_start3A_63 = arith.constant 0 : i32
      %dma_start3A_64 = tpu.memref_slice %arg3[%add3A_61, %dma_start3A_62, %dma_start3A_63] : memref<640x4x128xi32, #tpu.memory_space<hbm>> -> memref<1x4x128xi32, #tpu.memory_space<hbm>>
      %dma_start3A_65 = tpu.memref_squeeze %dma_start3A_64 : memref<1x4x128xi32, #tpu.memory_space<hbm>> -> memref<4x128xi32, #tpu.memory_space<hbm>>
      %dma_start3A_66 = arith.constant 0 : i32
      %dma_start3A_67 = arith.constant 0 : i32
      %dma_start3A_68 = tpu.memref_slice %arg3[%add3A_61, %dma_start3A_66, %dma_start3A_67] : memref<640x4x128xi32, #tpu.memory_space<hbm>> -> memref<1x4x128xi32, #tpu.memory_space<hbm>>
      %dma_start3A_69 = tpu.memref_squeeze %dma_start3A_68 : memref<1x4x128xi32, #tpu.memory_space<hbm>> -> memref<4x128xi32, #tpu.memory_space<hbm>>
      tpu.enqueue_dma source(%dma_start3A_69 : memref<4x128xi32, #tpu.memory_space<hbm>>) target(%arg8 : memref<4x128xi32, #tpu.memory_space<vmem>>) target_semaphore(%arg17 : memref<!tpu.dma_semaphore, #tpu.memory_space<semaphore_mem>>)
      %dma_start3A_70 = arith.constant 0 : i32
      %dma_start3A_71 = arith.constant 0 : i32
      %dma_start3A_72 = tpu.memref_slice %arg4[%add3A_61, %dma_start3A_70, %dma_start3A_71] : memref<640x4x128xi32, #tpu.memory_space<hbm>> -> memref<1x4x128xi32, #tpu.memory_space<hbm>>
      %dma_start3A_73 = tpu.memref_squeeze %dma_start3A_72 : memref<1x4x128xi32, #tpu.memory_space<hbm>> -> memref<4x128xi32, #tpu.memory_space<hbm>>
      %dma_start3A_74 = arith.constant 0 : i32
      %dma_start3A_75 = arith.constant 0 : i32
      %dma_start3A_76 = tpu.memref_slice %arg4[%add3A_61, %dma_start3A_74, %dma_start3A_75] : memref<640x4x128xi32, #tpu.memory_space<hbm>> -> memref<1x4x128xi32, #tpu.memory_space<hbm>>
      %dma_start3A_77 = tpu.memref_squeeze %dma_start3A_76 : memref<1x4x128xi32, #tpu.memory_space<hbm>> -> memref<4x128xi32, #tpu.memory_space<hbm>>
      tpu.enqueue_dma source(%dma_start3A_77 : memref<4x128xi32, #tpu.memory_space<hbm>>) target(%arg10 : memref<4x128xi32, #tpu.memory_space<vmem>>) target_semaphore(%arg17 : memref<!tpu.dma_semaphore, #tpu.memory_space<semaphore_mem>>)
      %dma_start3A_78 = arith.constant 0 : i32
      %dma_start3A_79 = arith.constant 0 : i32
      %dma_start3A_80 = tpu.memref_slice %arg7[%dma_start3A_78, %dma_start3A_79] : memref<4x128xi32, #tpu.memory_space<vmem>> -> memref<1x128xi32, #tpu.memory_space<vmem>>
      %dma_start3A_81 = tpu.memref_squeeze %dma_start3A_80 : memref<1x128xi32, #tpu.memory_space<vmem>> -> memref<128xi32, #tpu.memory_space<vmem>>
      %dma_start3A_82 = arith.constant 0 : i32
      %dma_start3A_83 = arith.constant 0 : i32
      %dma_start3A_84 = tpu.memref_slice %arg2[%dma_start3A_82, %dma_start3A_83] : memref<10000x128xf32, #tpu.memory_space<hbm>> -> memref<10000x128xf32, #tpu.memory_space<hbm>>
      tpu.enqueue_indirect_dma source(%dma_start3A_84 : memref<10000x128xf32, #tpu.memory_space<hbm>>) target(%arg11 : memref<128x128xf32, #tpu.memory_space<vmem>>) offsets(%dma_start3A_81 : memref<128xi32, #tpu.memory_space<vmem>>) semaphore(%arg14 : memref<!tpu.dma_semaphore, #tpu.memory_space<semaphore_mem>>)
      %dma_wait3A_85 = arith.constant 0 : i32
      %dma_wait3A_86 = arith.constant 0 : i32
      %dma_wait3A_87 = tpu.memref_slice %arg7[%dma_wait3A_85, %dma_wait3A_86] : memref<4x128xi32, #tpu.memory_space<vmem>> -> memref<1x128xi32, #tpu.memory_space<vmem>>
      %dma_wait3A_88 = tpu.memref_squeeze %dma_wait3A_87 : memref<1x128xi32, #tpu.memory_space<vmem>> -> memref<128xi32, #tpu.memory_space<vmem>>
      %dma_wait3A_89 = arith.constant 0 : i32
      %dma_wait3A_90 = arith.constant 0 : i32
      %dma_wait3A_91 = tpu.memref_slice %arg2[%dma_wait3A_89, %dma_wait3A_90] : memref<10000x128xf32, #tpu.memory_space<hbm>> -> memref<10000x128xf32, #tpu.memory_space<hbm>>
      tpu.wait_indirect_dma semaphore(%arg14 : memref<!tpu.dma_semaphore, #tpu.memory_space<semaphore_mem>>) src(%dma_wait3A_91 : memref<10000x128xf32, #tpu.memory_space<hbm>>) dst(%arg11 : memref<128x128xf32, #tpu.memory_space<vmem>>)
      %dma_start3A_92 = arith.constant 1 : i32
      %dma_start3A_93 = arith.constant 0 : i32
      %dma_start3A_94 = tpu.memref_slice %arg7[%dma_start3A_92, %dma_start3A_93] : memref<4x128xi32, #tpu.memory_space<vmem>> -> memref<1x128xi32, #tpu.memory_space<vmem>>
      %dma_start3A_95 = tpu.memref_squeeze %dma_start3A_94 : memref<1x128xi32, #tpu.memory_space<vmem>> -> memref<128xi32, #tpu.memory_space<vmem>>
      %dma_start3A_96 = arith.constant 0 : i32
      %dma_start3A_97 = arith.constant 0 : i32
      %dma_start3A_98 = tpu.memref_slice %arg2[%dma_start3A_96, %dma_start3A_97] : memref<10000x128xf32, #tpu.memory_space<hbm>> -> memref<10000x128xf32, #tpu.memory_space<hbm>>
      tpu.enqueue_indirect_dma source(%dma_start3A_98 : memref<10000x128xf32, #tpu.memory_space<hbm>>) target(%arg12 : memref<128x128xf32, #tpu.memory_space<vmem>>) offsets(%dma_start3A_95 : memref<128xi32, #tpu.memory_space<vmem>>) semaphore(%arg15 : memref<!tpu.dma_semaphore, #tpu.memory_space<semaphore_mem>>)
      %run_scoped3A = arith.constant 0 : i32
      "tpu.region"() ({
        %run_scoped3A_225 = tpu.sem_alloc : memref<!tpu.dma_semaphore, #tpu.memory_space<semaphore_mem>>
        %dma_start3A_226 = arith.constant 0 : i32
        %dma_start3A_227 = tpu.memref_slice %arg9[%run_scoped3A, %dma_start3A_226] : memref<4x128xi32, #tpu.memory_space<vmem>> -> memref<1x128xi32, #tpu.memory_space<vmem>>
        %dma_start3A_228 = tpu.memref_squeeze %dma_start3A_227 : memref<1x128xi32, #tpu.memory_space<vmem>> -> memref<128xi32, #tpu.memory_space<vmem>>
        %dma_start3A_229 = arith.constant 0 : i32
        %dma_start3A_230 = arith.constant 0 : i32
        %dma_start3A_231 = tpu.memref_slice %arg13[%dma_start3A_229, %dma_start3A_230] : memref<10112x128xf32, #tpu.memory_space<vmem_shared>> -> memref<10112x128xf32, #tpu.memory_space<vmem_shared>>
        tpu.enqueue_indirect_dma source(%arg11 : memref<128x128xf32, #tpu.memory_space<vmem>>) target(%dma_start3A_231 : memref<10112x128xf32, #tpu.memory_space<vmem_shared>>) offsets(%dma_start3A_228 : memref<128xi32, #tpu.memory_space<vmem>>) semaphore(%run_scoped3A_225 : memref<!tpu.dma_semaphore, #tpu.memory_space<semaphore_mem>>) {add = true}
        %dma_wait3A_232 = arith.constant 0 : i32
        %dma_wait3A_233 = tpu.memref_slice %arg9[%run_scoped3A, %dma_wait3A_232] : memref<4x128xi32, #tpu.memory_space<vmem>> -> memref<1x128xi32, #tpu.memory_space<vmem>>
        %dma_wait3A_234 = tpu.memref_squeeze %dma_wait3A_233 : memref<1x128xi32, #tpu.memory_space<vmem>> -> memref<128xi32, #tpu.memory_space<vmem>>
        %dma_wait3A_235 = arith.constant 0 : i32
        %dma_wait3A_236 = arith.constant 0 : i32
        %dma_wait3A_237 = tpu.memref_slice %arg13[%dma_wait3A_235, %dma_wait3A_236] : memref<10112x128xf32, #tpu.memory_space<vmem_shared>> -> memref<10112x128xf32, #tpu.memory_space<vmem_shared>>
        tpu.wait_indirect_dma semaphore(%run_scoped3A_225 : memref<!tpu.dma_semaphore, #tpu.memory_space<semaphore_mem>>) src(%arg11 : memref<128x128xf32, #tpu.memory_space<vmem>>) dst(%dma_wait3A_237 : memref<10112x128xf32, #tpu.memory_space<vmem_shared>>)
        tpu.yield
      }) : () -> ()
      %dma_wait3A_99 = arith.constant 1 : i32
      %dma_wait3A_100 = arith.constant 0 : i32
      %dma_wait3A_101 = tpu.memref_slice %arg7[%dma_wait3A_99, %dma_wait3A_100] : memref<4x128xi32, #tpu.memory_space<vmem>> -> memref<1x128xi32, #tpu.memory_space<vmem>>
      %dma_wait3A_102 = tpu.memref_squeeze %dma_wait3A_101 : memref<1x128xi32, #tpu.memory_space<vmem>> -> memref<128xi32, #tpu.memory_space<vmem>>
      %dma_wait3A_103 = arith.constant 0 : i32
      %dma_wait3A_104 = arith.constant 0 : i32
      %dma_wait3A_105 = tpu.memref_slice %arg2[%dma_wait3A_103, %dma_wait3A_104] : memref<10000x128xf32, #tpu.memory_space<hbm>> -> memref<10000x128xf32, #tpu.memory_space<hbm>>
      tpu.wait_indirect_dma semaphore(%arg15 : memref<!tpu.dma_semaphore, #tpu.memory_space<semaphore_mem>>) src(%dma_wait3A_105 : memref<10000x128xf32, #tpu.memory_space<hbm>>) dst(%arg12 : memref<128x128xf32, #tpu.memory_space<vmem>>)
      %dma_start3A_106 = arith.constant 2 : i32
      %dma_start3A_107 = arith.constant 0 : i32
      %dma_start3A_108 = tpu.memref_slice %arg7[%dma_start3A_106, %dma_start3A_107] : memref<4x128xi32, #tpu.memory_space<vmem>> -> memref<1x128xi32, #tpu.memory_space<vmem>>
      %dma_start3A_109 = tpu.memref_squeeze %dma_start3A_108 : memref<1x128xi32, #tpu.memory_space<vmem>> -> memref<128xi32, #tpu.memory_space<vmem>>
      %dma_start3A_110 = arith.constant 0 : i32
      %dma_start3A_111 = arith.constant 0 : i32
      %dma_start3A_112 = tpu.memref_slice %arg2[%dma_start3A_110, %dma_start3A_111] : memref<10000x128xf32, #tpu.memory_space<hbm>> -> memref<10000x128xf32, #tpu.memory_space<hbm>>
      tpu.enqueue_indirect_dma source(%dma_start3A_112 : memref<10000x128xf32, #tpu.memory_space<hbm>>) target(%arg11 : memref<128x128xf32, #tpu.memory_space<vmem>>) offsets(%dma_start3A_109 : memref<128xi32, #tpu.memory_space<vmem>>) semaphore(%arg14 : memref<!tpu.dma_semaphore, #tpu.memory_space<semaphore_mem>>)
      %run_scoped3A_113 = arith.constant 1 : i32
      "tpu.region"() ({
        %run_scoped3A_225 = tpu.sem_alloc : memref<!tpu.dma_semaphore, #tpu.memory_space<semaphore_mem>>
        %dma_start3A_226 = arith.constant 0 : i32
        %dma_start3A_227 = tpu.memref_slice %arg9[%run_scoped3A_113, %dma_start3A_226] : memref<4x128xi32, #tpu.memory_space<vmem>> -> memref<1x128xi32, #tpu.memory_space<vmem>>
        %dma_start3A_228 = tpu.memref_squeeze %dma_start3A_227 : memref<1x128xi32, #tpu.memory_space<vmem>> -> memref<128xi32, #tpu.memory_space<vmem>>
        %dma_start3A_229 = arith.constant 0 : i32
        %dma_start3A_230 = arith.constant 0 : i32
        %dma_start3A_231 = tpu.memref_slice %arg13[%dma_start3A_229, %dma_start3A_230] : memref<10112x128xf32, #tpu.memory_space<vmem_shared>> -> memref<10112x128xf32, #tpu.memory_space<vmem_shared>>
        tpu.enqueue_indirect_dma source(%arg12 : memref<128x128xf32, #tpu.memory_space<vmem>>) target(%dma_start3A_231 : memref<10112x128xf32, #tpu.memory_space<vmem_shared>>) offsets(%dma_start3A_228 : memref<128xi32, #tpu.memory_space<vmem>>) semaphore(%run_scoped3A_225 : memref<!tpu.dma_semaphore, #tpu.memory_space<semaphore_mem>>) {add = true}
        %dma_wait3A_232 = arith.constant 0 : i32
        %dma_wait3A_233 = tpu.memref_slice %arg9[%run_scoped3A_113, %dma_wait3A_232] : memref<4x128xi32, #tpu.memory_space<vmem>> -> memref<1x128xi32, #tpu.memory_space<vmem>>
        %dma_wait3A_234 = tpu.memref_squeeze %dma_wait3A_233 : memref<1x128xi32, #tpu.memory_space<vmem>> -> memref<128xi32, #tpu.memory_space<vmem>>
        %dma_wait3A_235 = arith.constant 0 : i32
        %dma_wait3A_236 = arith.constant 0 : i32
        %dma_wait3A_237 = tpu.memref_slice %arg13[%dma_wait3A_235, %dma_wait3A_236] : memref<10112x128xf32, #tpu.memory_space<vmem_shared>> -> memref<10112x128xf32, #tpu.memory_space<vmem_shared>>
        tpu.wait_indirect_dma semaphore(%run_scoped3A_225 : memref<!tpu.dma_semaphore, #tpu.memory_space<semaphore_mem>>) src(%arg12 : memref<128x128xf32, #tpu.memory_space<vmem>>) dst(%dma_wait3A_237 : memref<10112x128xf32, #tpu.memory_space<vmem_shared>>)
        tpu.yield
      }) : () -> ()
      %dma_wait3A_114 = arith.constant 2 : i32
      %dma_wait3A_115 = arith.constant 0 : i32
      %dma_wait3A_116 = tpu.memref_slice %arg7[%dma_wait3A_114, %dma_wait3A_115] : memref<4x128xi32, #tpu.memory_space<vmem>> -> memref<1x128xi32, #tpu.memory_space<vmem>>
      %dma_wait3A_117 = tpu.memref_squeeze %dma_wait3A_116 : memref<1x128xi32, #tpu.memory_space<vmem>> -> memref<128xi32, #tpu.memory_space<vmem>>
      %dma_wait3A_118 = arith.constant 0 : i32
      %dma_wait3A_119 = arith.constant 0 : i32
      %dma_wait3A_120 = tpu.memref_slice %arg2[%dma_wait3A_118, %dma_wait3A_119] : memref<10000x128xf32, #tpu.memory_space<hbm>> -> memref<10000x128xf32, #tpu.memory_space<hbm>>
      tpu.wait_indirect_dma semaphore(%arg14 : memref<!tpu.dma_semaphore, #tpu.memory_space<semaphore_mem>>) src(%dma_wait3A_120 : memref<10000x128xf32, #tpu.memory_space<hbm>>) dst(%arg11 : memref<128x128xf32, #tpu.memory_space<vmem>>)
      %dma_start3A_121 = arith.constant 3 : i32
      %dma_start3A_122 = arith.constant 0 : i32
      %dma_start3A_123 = tpu.memref_slice %arg7[%dma_start3A_121, %dma_start3A_122] : memref<4x128xi32, #tpu.memory_space<vmem>> -> memref<1x128xi32, #tpu.memory_space<vmem>>
      %dma_start3A_124 = tpu.memref_squeeze %dma_start3A_123 : memref<1x128xi32, #tpu.memory_space<vmem>> -> memref<128xi32, #tpu.memory_space<vmem>>
      %dma_start3A_125 = arith.constant 0 : i32
      %dma_start3A_126 = arith.constant 0 : i32
      %dma_start3A_127 = tpu.memref_slice %arg2[%dma_start3A_125, %dma_start3A_126] : memref<10000x128xf32, #tpu.memory_space<hbm>> -> memref<10000x128xf32, #tpu.memory_space<hbm>>
      tpu.enqueue_indirect_dma source(%dma_start3A_127 : memref<10000x128xf32, #tpu.memory_space<hbm>>) target(%arg12 : memref<128x128xf32, #tpu.memory_space<vmem>>) offsets(%dma_start3A_124 : memref<128xi32, #tpu.memory_space<vmem>>) semaphore(%arg15 : memref<!tpu.dma_semaphore, #tpu.memory_space<semaphore_mem>>)
      %run_scoped3A_128 = arith.constant 2 : i32
      "tpu.region"() ({
        %run_scoped3A_225 = tpu.sem_alloc : memref<!tpu.dma_semaphore, #tpu.memory_space<semaphore_mem>>
        %dma_start3A_226 = arith.constant 0 : i32
        %dma_start3A_227 = tpu.memref_slice %arg9[%run_scoped3A_128, %dma_start3A_226] : memref<4x128xi32, #tpu.memory_space<vmem>> -> memref<1x128xi32, #tpu.memory_space<vmem>>
        %dma_start3A_228 = tpu.memref_squeeze %dma_start3A_227 : memref<1x128xi32, #tpu.memory_space<vmem>> -> memref<128xi32, #tpu.memory_space<vmem>>
        %dma_start3A_229 = arith.constant 0 : i32
        %dma_start3A_230 = arith.constant 0 : i32
        %dma_start3A_231 = tpu.memref_slice %arg13[%dma_start3A_229, %dma_start3A_230] : memref<10112x128xf32, #tpu.memory_space<vmem_shared>> -> memref<10112x128xf32, #tpu.memory_space<vmem_shared>>
        tpu.enqueue_indirect_dma source(%arg11 : memref<128x128xf32, #tpu.memory_space<vmem>>) target(%dma_start3A_231 : memref<10112x128xf32, #tpu.memory_space<vmem_shared>>) offsets(%dma_start3A_228 : memref<128xi32, #tpu.memory_space<vmem>>) semaphore(%run_scoped3A_225 : memref<!tpu.dma_semaphore, #tpu.memory_space<semaphore_mem>>) {add = true}
        %dma_wait3A_232 = arith.constant 0 : i32
        %dma_wait3A_233 = tpu.memref_slice %arg9[%run_scoped3A_128, %dma_wait3A_232] : memref<4x128xi32, #tpu.memory_space<vmem>> -> memref<1x128xi32, #tpu.memory_space<vmem>>
        %dma_wait3A_234 = tpu.memref_squeeze %dma_wait3A_233 : memref<1x128xi32, #tpu.memory_space<vmem>> -> memref<128xi32, #tpu.memory_space<vmem>>
        %dma_wait3A_235 = arith.constant 0 : i32
        %dma_wait3A_236 = arith.constant 0 : i32
        %dma_wait3A_237 = tpu.memref_slice %arg13[%dma_wait3A_235, %dma_wait3A_236] : memref<10112x128xf32, #tpu.memory_space<vmem_shared>> -> memref<10112x128xf32, #tpu.memory_space<vmem_shared>>
        tpu.wait_indirect_dma semaphore(%run_scoped3A_225 : memref<!tpu.dma_semaphore, #tpu.memory_space<semaphore_mem>>) src(%arg11 : memref<128x128xf32, #tpu.memory_space<vmem>>) dst(%dma_wait3A_237 : memref<10112x128xf32, #tpu.memory_space<vmem_shared>>)
        tpu.yield
      }) : () -> ()
      %dma_wait3A_129 = arith.constant 3 : i32
      %dma_wait3A_130 = arith.constant 0 : i32
      %dma_wait3A_131 = tpu.memref_slice %arg7[%dma_wait3A_129, %dma_wait3A_130] : memref<4x128xi32, #tpu.memory_space<vmem>> -> memref<1x128xi32, #tpu.memory_space<vmem>>
      %dma_wait3A_132 = tpu.memref_squeeze %dma_wait3A_131 : memref<1x128xi32, #tpu.memory_space<vmem>> -> memref<128xi32, #tpu.memory_space<vmem>>
      %dma_wait3A_133 = arith.constant 0 : i32
      %dma_wait3A_134 = arith.constant 0 : i32
      %dma_wait3A_135 = tpu.memref_slice %arg2[%dma_wait3A_133, %dma_wait3A_134] : memref<10000x128xf32, #tpu.memory_space<hbm>> -> memref<10000x128xf32, #tpu.memory_space<hbm>>
      tpu.wait_indirect_dma semaphore(%arg15 : memref<!tpu.dma_semaphore, #tpu.memory_space<semaphore_mem>>) src(%dma_wait3A_135 : memref<10000x128xf32, #tpu.memory_space<hbm>>) dst(%arg12 : memref<128x128xf32, #tpu.memory_space<vmem>>)
      %run_scoped3A_136 = arith.constant 3 : i32
      "tpu.region"() ({
        %run_scoped3A_225 = tpu.sem_alloc : memref<!tpu.dma_semaphore, #tpu.memory_space<semaphore_mem>>
        %dma_start3A_226 = arith.constant 0 : i32
        %dma_start3A_227 = tpu.memref_slice %arg9[%run_scoped3A_136, %dma_start3A_226] : memref<4x128xi32, #tpu.memory_space<vmem>> -> memref<1x128xi32, #tpu.memory_space<vmem>>
        %dma_start3A_228 = tpu.memref_squeeze %dma_start3A_227 : memref<1x128xi32, #tpu.memory_space<vmem>> -> memref<128xi32, #tpu.memory_space<vmem>>
        %dma_start3A_229 = arith.constant 0 : i32
        %dma_start3A_230 = arith.constant 0 : i32
        %dma_start3A_231 = tpu.memref_slice %arg13[%dma_start3A_229, %dma_start3A_230] : memref<10112x128xf32, #tpu.memory_space<vmem_shared>> -> memref<10112x128xf32, #tpu.memory_space<vmem_shared>>
        tpu.enqueue_indirect_dma source(%arg12 : memref<128x128xf32, #tpu.memory_space<vmem>>) target(%dma_start3A_231 : memref<10112x128xf32, #tpu.memory_space<vmem_shared>>) offsets(%dma_start3A_228 : memref<128xi32, #tpu.memory_space<vmem>>) semaphore(%run_scoped3A_225 : memref<!tpu.dma_semaphore, #tpu.memory_space<semaphore_mem>>) {add = true}
        %dma_wait3A_232 = arith.constant 0 : i32
        %dma_wait3A_233 = tpu.memref_slice %arg9[%run_scoped3A_136, %dma_wait3A_232] : memref<4x128xi32, #tpu.memory_space<vmem>> -> memref<1x128xi32, #tpu.memory_space<vmem>>
        %dma_wait3A_234 = tpu.memref_squeeze %dma_wait3A_233 : memref<1x128xi32, #tpu.memory_space<vmem>> -> memref<128xi32, #tpu.memory_space<vmem>>
        %dma_wait3A_235 = arith.constant 0 : i32
        %dma_wait3A_236 = arith.constant 0 : i32
        %dma_wait3A_237 = tpu.memref_slice %arg13[%dma_wait3A_235, %dma_wait3A_236] : memref<10112x128xf32, #tpu.memory_space<vmem_shared>> -> memref<10112x128xf32, #tpu.memory_space<vmem_shared>>
        tpu.wait_indirect_dma semaphore(%run_scoped3A_225 : memref<!tpu.dma_semaphore, #tpu.memory_space<semaphore_mem>>) src(%arg12 : memref<128x128xf32, #tpu.memory_space<vmem>>) dst(%dma_wait3A_237 : memref<10112x128xf32, #tpu.memory_space<vmem_shared>>)
        tpu.yield
      }) : () -> ()
      %add3A_137 = arith.constant 1 : i32
      %add3A_138 = arith.addi %mul3A_38, %add3A_137 : i32
      %mul3A_139 = arith.constant 20 : i32
      %mul3A_140 = arith.muli %add3A, %mul3A_139 : i32
      %add3A_141 = arith.addi %mul3A_140, %add3A_138 : i32
      %dma_wait3A_142 = arith.constant 0 : i32
      %dma_wait3A_143 = arith.constant 0 : i32
      %dma_wait3A_144 = tpu.memref_slice %arg3[%add3A_141, %dma_wait3A_142, %dma_wait3A_143] : memref<640x4x128xi32, #tpu.memory_space<hbm>> -> memref<1x4x128xi32, #tpu.memory_space<hbm>>
      %dma_wait3A_145 = tpu.memref_squeeze %dma_wait3A_144 : memref<1x4x128xi32, #tpu.memory_space<hbm>> -> memref<4x128xi32, #tpu.memory_space<hbm>>
      %dma_wait3A_146 = arith.constant 0 : i32
      %dma_wait3A_147 = arith.constant 0 : i32
      %dma_wait3A_148 = tpu.memref_slice %arg3[%add3A_141, %dma_wait3A_146, %dma_wait3A_147] : memref<640x4x128xi32, #tpu.memory_space<hbm>> -> memref<1x4x128xi32, #tpu.memory_space<hbm>>
      %dma_wait3A_149 = tpu.memref_squeeze %dma_wait3A_148 : memref<1x4x128xi32, #tpu.memory_space<hbm>> -> memref<4x128xi32, #tpu.memory_space<hbm>>
      tpu.wait_dma2 semaphore(%arg17 : memref<!tpu.dma_semaphore, #tpu.memory_space<semaphore_mem>>) src(%dma_wait3A_149 : memref<4x128xi32, #tpu.memory_space<hbm>>) dst(%arg8 : memref<4x128xi32, #tpu.memory_space<vmem>>)
      %dma_wait3A_150 = arith.constant 0 : i32
      %dma_wait3A_151 = arith.constant 0 : i32
      %dma_wait3A_152 = tpu.memref_slice %arg4[%add3A_141, %dma_wait3A_150, %dma_wait3A_151] : memref<640x4x128xi32, #tpu.memory_space<hbm>> -> memref<1x4x128xi32, #tpu.memory_space<hbm>>
      %dma_wait3A_153 = tpu.memref_squeeze %dma_wait3A_152 : memref<1x4x128xi32, #tpu.memory_space<hbm>> -> memref<4x128xi32, #tpu.memory_space<hbm>>
      %dma_wait3A_154 = arith.constant 0 : i32
      %dma_wait3A_155 = arith.constant 0 : i32
      %dma_wait3A_156 = tpu.memref_slice %arg4[%add3A_141, %dma_wait3A_154, %dma_wait3A_155] : memref<640x4x128xi32, #tpu.memory_space<hbm>> -> memref<1x4x128xi32, #tpu.memory_space<hbm>>
      %dma_wait3A_157 = tpu.memref_squeeze %dma_wait3A_156 : memref<1x4x128xi32, #tpu.memory_space<hbm>> -> memref<4x128xi32, #tpu.memory_space<hbm>>
      tpu.wait_dma2 semaphore(%arg17 : memref<!tpu.dma_semaphore, #tpu.memory_space<semaphore_mem>>) src(%dma_wait3A_157 : memref<4x128xi32, #tpu.memory_space<hbm>>) dst(%arg10 : memref<4x128xi32, #tpu.memory_space<vmem>>)
      %add3A_158 = arith.constant 2 : i32
      %add3A_159 = arith.addi %mul3A_38, %add3A_158 : i32
      %lt3A = arith.constant 20 : i32
      %lt3A_160 = arith.cmpi slt, %add3A_159, %lt3A : i32
      %convert_element_type3A_161 = arith.extui %lt3A_160 : i1 to i32
      %cond3A_162 = arith.constant 0 : i32
      %cond3A_163 = arith.cmpi ne, %convert_element_type3A_161, %cond3A_162 : i32
      scf.if %cond3A_163 {
        %add3A_225 = arith.constant 2 : i32
        %add3A_226 = arith.addi %mul3A_38, %add3A_225 : i32
        %mul3A_227 = arith.constant 20 : i32
        %mul3A_228 = arith.muli %add3A, %mul3A_227 : i32
        %add3A_229 = arith.addi %mul3A_228, %add3A_226 : i32
        %dma_start3A_230 = arith.constant 0 : i32
        %dma_start3A_231 = arith.constant 0 : i32
        %dma_start3A_232 = tpu.memref_slice %arg3[%add3A_229, %dma_start3A_230, %dma_start3A_231] : memref<640x4x128xi32, #tpu.memory_space<hbm>> -> memref<1x4x128xi32, #tpu.memory_space<hbm>>
        %dma_start3A_233 = tpu.memref_squeeze %dma_start3A_232 : memref<1x4x128xi32, #tpu.memory_space<hbm>> -> memref<4x128xi32, #tpu.memory_space<hbm>>
        %dma_start3A_234 = arith.constant 0 : i32
        %dma_start3A_235 = arith.constant 0 : i32
        %dma_start3A_236 = tpu.memref_slice %arg3[%add3A_229, %dma_start3A_234, %dma_start3A_235] : memref<640x4x128xi32, #tpu.memory_space<hbm>> -> memref<1x4x128xi32, #tpu.memory_space<hbm>>
        %dma_start3A_237 = tpu.memref_squeeze %dma_start3A_236 : memref<1x4x128xi32, #tpu.memory_space<hbm>> -> memref<4x128xi32, #tpu.memory_space<hbm>>
        tpu.enqueue_dma source(%dma_start3A_237 : memref<4x128xi32, #tpu.memory_space<hbm>>) target(%arg7 : memref<4x128xi32, #tpu.memory_space<vmem>>) target_semaphore(%arg16 : memref<!tpu.dma_semaphore, #tpu.memory_space<semaphore_mem>>)
        %dma_start3A_238 = arith.constant 0 : i32
        %dma_start3A_239 = arith.constant 0 : i32
        %dma_start3A_240 = tpu.memref_slice %arg4[%add3A_229, %dma_start3A_238, %dma_start3A_239] : memref<640x4x128xi32, #tpu.memory_space<hbm>> -> memref<1x4x128xi32, #tpu.memory_space<hbm>>
        %dma_start3A_241 = tpu.memref_squeeze %dma_start3A_240 : memref<1x4x128xi32, #tpu.memory_space<hbm>> -> memref<4x128xi32, #tpu.memory_space<hbm>>
        %dma_start3A_242 = arith.constant 0 : i32
        %dma_start3A_243 = arith.constant 0 : i32
        %dma_start3A_244 = tpu.memref_slice %arg4[%add3A_229, %dma_start3A_242, %dma_start3A_243] : memref<640x4x128xi32, #tpu.memory_space<hbm>> -> memref<1x4x128xi32, #tpu.memory_space<hbm>>
        %dma_start3A_245 = tpu.memref_squeeze %dma_start3A_244 : memref<1x4x128xi32, #tpu.memory_space<hbm>> -> memref<4x128xi32, #tpu.memory_space<hbm>>
        tpu.enqueue_dma source(%dma_start3A_245 : memref<4x128xi32, #tpu.memory_space<hbm>>) target(%arg9 : memref<4x128xi32, #tpu.memory_space<vmem>>) target_semaphore(%arg16 : memref<!tpu.dma_semaphore, #tpu.memory_space<semaphore_mem>>)
      } else {
      }
      %dma_start3A_164 = arith.constant 0 : i32
      %dma_start3A_165 = arith.constant 0 : i32
      %dma_start3A_166 = tpu.memref_slice %arg8[%dma_start3A_164, %dma_start3A_165] : memref<4x128xi32, #tpu.memory_space<vmem>> -> memref<1x128xi32, #tpu.memory_space<vmem>>
      %dma_start3A_167 = tpu.memref_squeeze %dma_start3A_166 : memref<1x128xi32, #tpu.memory_space<vmem>> -> memref<128xi32, #tpu.memory_space<vmem>>
      %dma_start3A_168 = arith.constant 0 : i32
      %dma_start3A_169 = arith.constant 0 : i32
      %dma_start3A_170 = tpu.memref_slice %arg2[%dma_start3A_168, %dma_start3A_169] : memref<10000x128xf32, #tpu.memory_space<hbm>> -> memref<10000x128xf32, #tpu.memory_space<hbm>>
      tpu.enqueue_indirect_dma source(%dma_start3A_170 : memref<10000x128xf32, #tpu.memory_space<hbm>>) target(%arg11 : memref<128x128xf32, #tpu.memory_space<vmem>>) offsets(%dma_start3A_167 : memref<128xi32, #tpu.memory_space<vmem>>) semaphore(%arg14 : memref<!tpu.dma_semaphore, #tpu.memory_space<semaphore_mem>>)
      %dma_wait3A_171 = arith.constant 0 : i32
      %dma_wait3A_172 = arith.constant 0 : i32
      %dma_wait3A_173 = tpu.memref_slice %arg8[%dma_wait3A_171, %dma_wait3A_172] : memref<4x128xi32, #tpu.memory_space<vmem>> -> memref<1x128xi32, #tpu.memory_space<vmem>>
      %dma_wait3A_174 = tpu.memref_squeeze %dma_wait3A_173 : memref<1x128xi32, #tpu.memory_space<vmem>> -> memref<128xi32, #tpu.memory_space<vmem>>
      %dma_wait3A_175 = arith.constant 0 : i32
      %dma_wait3A_176 = arith.constant 0 : i32
      %dma_wait3A_177 = tpu.memref_slice %arg2[%dma_wait3A_175, %dma_wait3A_176] : memref<10000x128xf32, #tpu.memory_space<hbm>> -> memref<10000x128xf32, #tpu.memory_space<hbm>>
      tpu.wait_indirect_dma semaphore(%arg14 : memref<!tpu.dma_semaphore, #tpu.memory_space<semaphore_mem>>) src(%dma_wait3A_177 : memref<10000x128xf32, #tpu.memory_space<hbm>>) dst(%arg11 : memref<128x128xf32, #tpu.memory_space<vmem>>)
      %dma_start3A_178 = arith.constant 1 : i32
      %dma_start3A_179 = arith.constant 0 : i32
      %dma_start3A_180 = tpu.memref_slice %arg8[%dma_start3A_178, %dma_start3A_179] : memref<4x128xi32, #tpu.memory_space<vmem>> -> memref<1x128xi32, #tpu.memory_space<vmem>>
      %dma_start3A_181 = tpu.memref_squeeze %dma_start3A_180 : memref<1x128xi32, #tpu.memory_space<vmem>> -> memref<128xi32, #tpu.memory_space<vmem>>
      %dma_start3A_182 = arith.constant 0 : i32
      %dma_start3A_183 = arith.constant 0 : i32
      %dma_start3A_184 = tpu.memref_slice %arg2[%dma_start3A_182, %dma_start3A_183] : memref<10000x128xf32, #tpu.memory_space<hbm>> -> memref<10000x128xf32, #tpu.memory_space<hbm>>
      tpu.enqueue_indirect_dma source(%dma_start3A_184 : memref<10000x128xf32, #tpu.memory_space<hbm>>) target(%arg12 : memref<128x128xf32, #tpu.memory_space<vmem>>) offsets(%dma_start3A_181 : memref<128xi32, #tpu.memory_space<vmem>>) semaphore(%arg15 : memref<!tpu.dma_semaphore, #tpu.memory_space<semaphore_mem>>)
      %run_scoped3A_185 = arith.constant 0 : i32
      "tpu.region"() ({
        %run_scoped3A_225 = tpu.sem_alloc : memref<!tpu.dma_semaphore, #tpu.memory_space<semaphore_mem>>
        %dma_start3A_226 = arith.constant 0 : i32
        %dma_start3A_227 = tpu.memref_slice %arg10[%run_scoped3A_185, %dma_start3A_226] : memref<4x128xi32, #tpu.memory_space<vmem>> -> memref<1x128xi32, #tpu.memory_space<vmem>>
        %dma_start3A_228 = tpu.memref_squeeze %dma_start3A_227 : memref<1x128xi32, #tpu.memory_space<vmem>> -> memref<128xi32, #tpu.memory_space<vmem>>
        %dma_start3A_229 = arith.constant 0 : i32
        %dma_start3A_230 = arith.constant 0 : i32
        %dma_start3A_231 = tpu.memref_slice %arg13[%dma_start3A_229, %dma_start3A_230] : memref<10112x128xf32, #tpu.memory_space<vmem_shared>> -> memref<10112x128xf32, #tpu.memory_space<vmem_shared>>
        tpu.enqueue_indirect_dma source(%arg11 : memref<128x128xf32, #tpu.memory_space<vmem>>) target(%dma_start3A_231 : memref<10112x128xf32, #tpu.memory_space<vmem_shared>>) offsets(%dma_start3A_228 : memref<128xi32, #tpu.memory_space<vmem>>) semaphore(%run_scoped3A_225 : memref<!tpu.dma_semaphore, #tpu.memory_space<semaphore_mem>>) {add = true}
        %dma_wait3A_232 = arith.constant 0 : i32
        %dma_wait3A_233 = tpu.memref_slice %arg10[%run_scoped3A_185, %dma_wait3A_232] : memref<4x128xi32, #tpu.memory_space<vmem>> -> memref<1x128xi32, #tpu.memory_space<vmem>>
        %dma_wait3A_234 = tpu.memref_squeeze %dma_wait3A_233 : memref<1x128xi32, #tpu.memory_space<vmem>> -> memref<128xi32, #tpu.memory_space<vmem>>
        %dma_wait3A_235 = arith.constant 0 : i32
        %dma_wait3A_236 = arith.constant 0 : i32
        %dma_wait3A_237 = tpu.memref_slice %arg13[%dma_wait3A_235, %dma_wait3A_236] : memref<10112x128xf32, #tpu.memory_space<vmem_shared>> -> memref<10112x128xf32, #tpu.memory_space<vmem_shared>>
        tpu.wait_indirect_dma semaphore(%run_scoped3A_225 : memref<!tpu.dma_semaphore, #tpu.memory_space<semaphore_mem>>) src(%arg11 : memref<128x128xf32, #tpu.memory_space<vmem>>) dst(%dma_wait3A_237 : memref<10112x128xf32, #tpu.memory_space<vmem_shared>>)
        tpu.yield
      }) : () -> ()
      %dma_wait3A_186 = arith.constant 1 : i32
      %dma_wait3A_187 = arith.constant 0 : i32
      %dma_wait3A_188 = tpu.memref_slice %arg8[%dma_wait3A_186, %dma_wait3A_187] : memref<4x128xi32, #tpu.memory_space<vmem>> -> memref<1x128xi32, #tpu.memory_space<vmem>>
      %dma_wait3A_189 = tpu.memref_squeeze %dma_wait3A_188 : memref<1x128xi32, #tpu.memory_space<vmem>> -> memref<128xi32, #tpu.memory_space<vmem>>
      %dma_wait3A_190 = arith.constant 0 : i32
      %dma_wait3A_191 = arith.constant 0 : i32
      %dma_wait3A_192 = tpu.memref_slice %arg2[%dma_wait3A_190, %dma_wait3A_191] : memref<10000x128xf32, #tpu.memory_space<hbm>> -> memref<10000x128xf32, #tpu.memory_space<hbm>>
      tpu.wait_indirect_dma semaphore(%arg15 : memref<!tpu.dma_semaphore, #tpu.memory_space<semaphore_mem>>) src(%dma_wait3A_192 : memref<10000x128xf32, #tpu.memory_space<hbm>>) dst(%arg12 : memref<128x128xf32, #tpu.memory_space<vmem>>)
      %dma_start3A_193 = arith.constant 2 : i32
      %dma_start3A_194 = arith.constant 0 : i32
      %dma_start3A_195 = tpu.memref_slice %arg8[%dma_start3A_193, %dma_start3A_194] : memref<4x128xi32, #tpu.memory_space<vmem>> -> memref<1x128xi32, #tpu.memory_space<vmem>>
      %dma_start3A_196 = tpu.memref_squeeze %dma_start3A_195 : memref<1x128xi32, #tpu.memory_space<vmem>> -> memref<128xi32, #tpu.memory_space<vmem>>
      %dma_start3A_197 = arith.constant 0 : i32
      %dma_start3A_198 = arith.constant 0 : i32
      %dma_start3A_199 = tpu.memref_slice %arg2[%dma_start3A_197, %dma_start3A_198] : memref<10000x128xf32, #tpu.memory_space<hbm>> -> memref<10000x128xf32, #tpu.memory_space<hbm>>
      tpu.enqueue_indirect_dma source(%dma_start3A_199 : memref<10000x128xf32, #tpu.memory_space<hbm>>) target(%arg11 : memref<128x128xf32, #tpu.memory_space<vmem>>) offsets(%dma_start3A_196 : memref<128xi32, #tpu.memory_space<vmem>>) semaphore(%arg14 : memref<!tpu.dma_semaphore, #tpu.memory_space<semaphore_mem>>)
      %run_scoped3A_200 = arith.constant 1 : i32
      "tpu.region"() ({
        %run_scoped3A_225 = tpu.sem_alloc : memref<!tpu.dma_semaphore, #tpu.memory_space<semaphore_mem>>
        %dma_start3A_226 = arith.constant 0 : i32
        %dma_start3A_227 = tpu.memref_slice %arg10[%run_scoped3A_200, %dma_start3A_226] : memref<4x128xi32, #tpu.memory_space<vmem>> -> memref<1x128xi32, #tpu.memory_space<vmem>>
        %dma_start3A_228 = tpu.memref_squeeze %dma_start3A_227 : memref<1x128xi32, #tpu.memory_space<vmem>> -> memref<128xi32, #tpu.memory_space<vmem>>
        %dma_start3A_229 = arith.constant 0 : i32
        %dma_start3A_230 = arith.constant 0 : i32
        %dma_start3A_231 = tpu.memref_slice %arg13[%dma_start3A_229, %dma_start3A_230] : memref<10112x128xf32, #tpu.memory_space<vmem_shared>> -> memref<10112x128xf32, #tpu.memory_space<vmem_shared>>
        tpu.enqueue_indirect_dma source(%arg12 : memref<128x128xf32, #tpu.memory_space<vmem>>) target(%dma_start3A_231 : memref<10112x128xf32, #tpu.memory_space<vmem_shared>>) offsets(%dma_start3A_228 : memref<128xi32, #tpu.memory_space<vmem>>) semaphore(%run_scoped3A_225 : memref<!tpu.dma_semaphore, #tpu.memory_space<semaphore_mem>>) {add = true}
        %dma_wait3A_232 = arith.constant 0 : i32
        %dma_wait3A_233 = tpu.memref_slice %arg10[%run_scoped3A_200, %dma_wait3A_232] : memref<4x128xi32, #tpu.memory_space<vmem>> -> memref<1x128xi32, #tpu.memory_space<vmem>>
        %dma_wait3A_234 = tpu.memref_squeeze %dma_wait3A_233 : memref<1x128xi32, #tpu.memory_space<vmem>> -> memref<128xi32, #tpu.memory_space<vmem>>
        %dma_wait3A_235 = arith.constant 0 : i32
        %dma_wait3A_236 = arith.constant 0 : i32
        %dma_wait3A_237 = tpu.memref_slice %arg13[%dma_wait3A_235, %dma_wait3A_236] : memref<10112x128xf32, #tpu.memory_space<vmem_shared>> -> memref<10112x128xf32, #tpu.memory_space<vmem_shared>>
        tpu.wait_indirect_dma semaphore(%run_scoped3A_225 : memref<!tpu.dma_semaphore, #tpu.memory_space<semaphore_mem>>) src(%arg12 : memref<128x128xf32, #tpu.memory_space<vmem>>) dst(%dma_wait3A_237 : memref<10112x128xf32, #tpu.memory_space<vmem_shared>>)
        tpu.yield
      }) : () -> ()
      %dma_wait3A_201 = arith.constant 2 : i32
      %dma_wait3A_202 = arith.constant 0 : i32
      %dma_wait3A_203 = tpu.memref_slice %arg8[%dma_wait3A_201, %dma_wait3A_202] : memref<4x128xi32, #tpu.memory_space<vmem>> -> memref<1x128xi32, #tpu.memory_space<vmem>>
      %dma_wait3A_204 = tpu.memref_squeeze %dma_wait3A_203 : memref<1x128xi32, #tpu.memory_space<vmem>> -> memref<128xi32, #tpu.memory_space<vmem>>
      %dma_wait3A_205 = arith.constant 0 : i32
      %dma_wait3A_206 = arith.constant 0 : i32
      %dma_wait3A_207 = tpu.memref_slice %arg2[%dma_wait3A_205, %dma_wait3A_206] : memref<10000x128xf32, #tpu.memory_space<hbm>> -> memref<10000x128xf32, #tpu.memory_space<hbm>>
      tpu.wait_indirect_dma semaphore(%arg14 : memref<!tpu.dma_semaphore, #tpu.memory_space<semaphore_mem>>) src(%dma_wait3A_207 : memref<10000x128xf32, #tpu.memory_space<hbm>>) dst(%arg11 : memref<128x128xf32, #tpu.memory_space<vmem>>)
      %dma_start3A_208 = arith.constant 3 : i32
      %dma_start3A_209 = arith.constant 0 : i32
      %dma_start3A_210 = tpu.memref_slice %arg8[%dma_start3A_208, %dma_start3A_209] : memref<4x128xi32, #tpu.memory_space<vmem>> -> memref<1x128xi32, #tpu.memory_space<vmem>>
      %dma_start3A_211 = tpu.memref_squeeze %dma_start3A_210 : memref<1x128xi32, #tpu.memory_space<vmem>> -> memref<128xi32, #tpu.memory_space<vmem>>
      %dma_start3A_212 = arith.constant 0 : i32
      %dma_start3A_213 = arith.constant 0 : i32
      %dma_start3A_214 = tpu.memref_slice %arg2[%dma_start3A_212, %dma_start3A_213] : memref<10000x128xf32, #tpu.memory_space<hbm>> -> memref<10000x128xf32, #tpu.memory_space<hbm>>
      tpu.enqueue_indirect_dma source(%dma_start3A_214 : memref<10000x128xf32, #tpu.memory_space<hbm>>) target(%arg12 : memref<128x128xf32, #tpu.memory_space<vmem>>) offsets(%dma_start3A_211 : memref<128xi32, #tpu.memory_space<vmem>>) semaphore(%arg15 : memref<!tpu.dma_semaphore, #tpu.memory_space<semaphore_mem>>)
      %run_scoped3A_215 = arith.constant 2 : i32
      "tpu.region"() ({
        %run_scoped3A_225 = tpu.sem_alloc : memref<!tpu.dma_semaphore, #tpu.memory_space<semaphore_mem>>
        %dma_start3A_226 = arith.constant 0 : i32
        %dma_start3A_227 = tpu.memref_slice %arg10[%run_scoped3A_215, %dma_start3A_226] : memref<4x128xi32, #tpu.memory_space<vmem>> -> memref<1x128xi32, #tpu.memory_space<vmem>>
        %dma_start3A_228 = tpu.memref_squeeze %dma_start3A_227 : memref<1x128xi32, #tpu.memory_space<vmem>> -> memref<128xi32, #tpu.memory_space<vmem>>
        %dma_start3A_229 = arith.constant 0 : i32
        %dma_start3A_230 = arith.constant 0 : i32
        %dma_start3A_231 = tpu.memref_slice %arg13[%dma_start3A_229, %dma_start3A_230] : memref<10112x128xf32, #tpu.memory_space<vmem_shared>> -> memref<10112x128xf32, #tpu.memory_space<vmem_shared>>
        tpu.enqueue_indirect_dma source(%arg11 : memref<128x128xf32, #tpu.memory_space<vmem>>) target(%dma_start3A_231 : memref<10112x128xf32, #tpu.memory_space<vmem_shared>>) offsets(%dma_start3A_228 : memref<128xi32, #tpu.memory_space<vmem>>) semaphore(%run_scoped3A_225 : memref<!tpu.dma_semaphore, #tpu.memory_space<semaphore_mem>>) {add = true}
        %dma_wait3A_232 = arith.constant 0 : i32
        %dma_wait3A_233 = tpu.memref_slice %arg10[%run_scoped3A_215, %dma_wait3A_232] : memref<4x128xi32, #tpu.memory_space<vmem>> -> memref<1x128xi32, #tpu.memory_space<vmem>>
        %dma_wait3A_234 = tpu.memref_squeeze %dma_wait3A_233 : memref<1x128xi32, #tpu.memory_space<vmem>> -> memref<128xi32, #tpu.memory_space<vmem>>
        %dma_wait3A_235 = arith.constant 0 : i32
        %dma_wait3A_236 = arith.constant 0 : i32
        %dma_wait3A_237 = tpu.memref_slice %arg13[%dma_wait3A_235, %dma_wait3A_236] : memref<10112x128xf32, #tpu.memory_space<vmem_shared>> -> memref<10112x128xf32, #tpu.memory_space<vmem_shared>>
        tpu.wait_indirect_dma semaphore(%run_scoped3A_225 : memref<!tpu.dma_semaphore, #tpu.memory_space<semaphore_mem>>) src(%arg11 : memref<128x128xf32, #tpu.memory_space<vmem>>) dst(%dma_wait3A_237 : memref<10112x128xf32, #tpu.memory_space<vmem_shared>>)
        tpu.yield
      }) : () -> ()
      %dma_wait3A_216 = arith.constant 3 : i32
      %dma_wait3A_217 = arith.constant 0 : i32
      %dma_wait3A_218 = tpu.memref_slice %arg8[%dma_wait3A_216, %dma_wait3A_217] : memref<4x128xi32, #tpu.memory_space<vmem>> -> memref<1x128xi32, #tpu.memory_space<vmem>>
      %dma_wait3A_219 = tpu.memref_squeeze %dma_wait3A_218 : memref<1x128xi32, #tpu.memory_space<vmem>> -> memref<128xi32, #tpu.memory_space<vmem>>
      %dma_wait3A_220 = arith.constant 0 : i32
      %dma_wait3A_221 = arith.constant 0 : i32
      %dma_wait3A_222 = tpu.memref_slice %arg2[%dma_wait3A_220, %dma_wait3A_221] : memref<10000x128xf32, #tpu.memory_space<hbm>> -> memref<10000x128xf32, #tpu.memory_space<hbm>>
      tpu.wait_indirect_dma semaphore(%arg15 : memref<!tpu.dma_semaphore, #tpu.memory_space<semaphore_mem>>) src(%dma_wait3A_222 : memref<10000x128xf32, #tpu.memory_space<hbm>>) dst(%arg12 : memref<128x128xf32, #tpu.memory_space<vmem>>)
      %run_scoped3A_223 = arith.constant 3 : i32
      "tpu.region"() ({
        %run_scoped3A_225 = tpu.sem_alloc : memref<!tpu.dma_semaphore, #tpu.memory_space<semaphore_mem>>
        %dma_start3A_226 = arith.constant 0 : i32
        %dma_start3A_227 = tpu.memref_slice %arg10[%run_scoped3A_223, %dma_start3A_226] : memref<4x128xi32, #tpu.memory_space<vmem>> -> memref<1x128xi32, #tpu.memory_space<vmem>>
        %dma_start3A_228 = tpu.memref_squeeze %dma_start3A_227 : memref<1x128xi32, #tpu.memory_space<vmem>> -> memref<128xi32, #tpu.memory_space<vmem>>
        %dma_start3A_229 = arith.constant 0 : i32
        %dma_start3A_230 = arith.constant 0 : i32
        %dma_start3A_231 = tpu.memref_slice %arg13[%dma_start3A_229, %dma_start3A_230] : memref<10112x128xf32, #tpu.memory_space<vmem_shared>> -> memref<10112x128xf32, #tpu.memory_space<vmem_shared>>
        tpu.enqueue_indirect_dma source(%arg12 : memref<128x128xf32, #tpu.memory_space<vmem>>) target(%dma_start3A_231 : memref<10112x128xf32, #tpu.memory_space<vmem_shared>>) offsets(%dma_start3A_228 : memref<128xi32, #tpu.memory_space<vmem>>) semaphore(%run_scoped3A_225 : memref<!tpu.dma_semaphore, #tpu.memory_space<semaphore_mem>>) {add = true}
        %dma_wait3A_232 = arith.constant 0 : i32
        %dma_wait3A_233 = tpu.memref_slice %arg10[%run_scoped3A_223, %dma_wait3A_232] : memref<4x128xi32, #tpu.memory_space<vmem>> -> memref<1x128xi32, #tpu.memory_space<vmem>>
        %dma_wait3A_234 = tpu.memref_squeeze %dma_wait3A_233 : memref<1x128xi32, #tpu.memory_space<vmem>> -> memref<128xi32, #tpu.memory_space<vmem>>
        %dma_wait3A_235 = arith.constant 0 : i32
        %dma_wait3A_236 = arith.constant 0 : i32
        %dma_wait3A_237 = tpu.memref_slice %arg13[%dma_wait3A_235, %dma_wait3A_236] : memref<10112x128xf32, #tpu.memory_space<vmem_shared>> -> memref<10112x128xf32, #tpu.memory_space<vmem_shared>>
        tpu.wait_indirect_dma semaphore(%run_scoped3A_225 : memref<!tpu.dma_semaphore, #tpu.memory_space<semaphore_mem>>) src(%arg12 : memref<128x128xf32, #tpu.memory_space<vmem>>) dst(%dma_wait3A_237 : memref<10112x128xf32, #tpu.memory_space<vmem_shared>>)
        tpu.yield
      }) : () -> ()
      %scan3A_224 = arith.constant 0 : i32
      scf.yield %scan3A_224 : i32
    }
    %scan3A_27 = arith.constant 10 : i32
    %barrier3A_28 = arith.constant 0 : index
    tpu.barrier barrier_id(%barrier3A_28)
    %mul3A_29 = arith.constant 624 : i32
    %mul3A_30 = arith.muli %arg1, %mul3A_29 : i32
    %mul3A_31 = arith.constant 624 : i32
    %mul3A_32 = arith.muli %arg1, %mul3A_31 : i32
    "tpu.region"() ({
      %run_scoped3A = tpu.sem_alloc : memref<!tpu.dma_semaphore, #tpu.memory_space<semaphore_mem>>
      %dma_start3A_35 = arith.constant 0 : i32
      %dma_start3A_36 = tpu.memref_slice %arg6[%arg0, %mul3A_32, %dma_start3A_35] : memref<2x10000x128xf32, #tpu.memory_space<hbm>> -> memref<1x624x128xf32, #tpu.memory_space<hbm>>
      %dma_start3A_37 = tpu.memref_squeeze %dma_start3A_36 : memref<1x624x128xf32, #tpu.memory_space<hbm>> -> memref<624x128xf32, #tpu.memory_space<hbm>>
      %dma_start3A_38 = arith.constant 0 : i32
      %dma_start3A_39 = tpu.memref_slice %arg13[%mul3A_30, %dma_start3A_38] : memref<10112x128xf32, #tpu.memory_space<vmem_shared>> -> memref<624x128xf32, #tpu.memory_space<vmem_shared>>
      tpu.enqueue_dma source(%dma_start3A_39 : memref<624x128xf32, #tpu.memory_space<vmem_shared>>) target(%dma_start3A_37 : memref<624x128xf32, #tpu.memory_space<hbm>>) target_semaphore(%run_scoped3A : memref<!tpu.dma_semaphore, #tpu.memory_space<semaphore_mem>>)
      %dma_wait3A = arith.constant 0 : i32
      %dma_wait3A_40 = tpu.memref_slice %arg6[%arg0, %mul3A_32, %dma_wait3A] : memref<2x10000x128xf32, #tpu.memory_space<hbm>> -> memref<1x624x128xf32, #tpu.memory_space<hbm>>
      %dma_wait3A_41 = tpu.memref_squeeze %dma_wait3A_40 : memref<1x624x128xf32, #tpu.memory_space<hbm>> -> memref<624x128xf32, #tpu.memory_space<hbm>>
      %dma_wait3A_42 = arith.constant 0 : i32
      %dma_wait3A_43 = tpu.memref_slice %arg13[%mul3A_30, %dma_wait3A_42] : memref<10112x128xf32, #tpu.memory_space<vmem_shared>> -> memref<624x128xf32, #tpu.memory_space<vmem_shared>>
      tpu.wait_dma2 semaphore(%run_scoped3A : memref<!tpu.dma_semaphore, #tpu.memory_space<semaphore_mem>>) src(%dma_wait3A_43 : memref<624x128xf32, #tpu.memory_space<vmem_shared>>) dst(%dma_wait3A_41 : memref<624x128xf32, #tpu.memory_space<hbm>>)
      tpu.yield
    }) : () -> ()
    %eq3A = arith.constant 15 : i32
    %eq3A_33 = arith.cmpi eq, %arg1, %eq3A : i32
    %convert_element_type3A = arith.extui %eq3A_33 : i1 to i32
    %cond3A = arith.constant 0 : i32
    %cond3A_34 = arith.cmpi ne, %convert_element_type3A, %cond3A : i32
    scf.if %cond3A_34 {
      "tpu.region"() ({
        %run_scoped3A = tpu.sem_alloc : memref<!tpu.dma_semaphore, #tpu.memory_space<semaphore_mem>>
        %dma_start3A_35 = arith.constant 9984 : i32
        %dma_start3A_36 = arith.constant 0 : i32
        %dma_start3A_37 = tpu.memref_slice %arg6[%arg0, %dma_start3A_35, %dma_start3A_36] : memref<2x10000x128xf32, #tpu.memory_space<hbm>> -> memref<1x16x128xf32, #tpu.memory_space<hbm>>
        %dma_start3A_38 = tpu.memref_squeeze %dma_start3A_37 : memref<1x16x128xf32, #tpu.memory_space<hbm>> -> memref<16x128xf32, #tpu.memory_space<hbm>>
        %dma_start3A_39 = arith.constant 9984 : i32
        %dma_start3A_40 = arith.constant 0 : i32
        %dma_start3A_41 = tpu.memref_slice %arg13[%dma_start3A_39, %dma_start3A_40] : memref<10112x128xf32, #tpu.memory_space<vmem_shared>> -> memref<16x128xf32, #tpu.memory_space<vmem_shared>>
        tpu.enqueue_dma source(%dma_start3A_41 : memref<16x128xf32, #tpu.memory_space<vmem_shared>>) target(%dma_start3A_38 : memref<16x128xf32, #tpu.memory_space<hbm>>) target_semaphore(%run_scoped3A : memref<!tpu.dma_semaphore, #tpu.memory_space<semaphore_mem>>)
        %dma_wait3A = arith.constant 9984 : i32
        %dma_wait3A_42 = arith.constant 0 : i32
        %dma_wait3A_43 = tpu.memref_slice %arg6[%arg0, %dma_wait3A, %dma_wait3A_42] : memref<2x10000x128xf32, #tpu.memory_space<hbm>> -> memref<1x16x128xf32, #tpu.memory_space<hbm>>
        %dma_wait3A_44 = tpu.memref_squeeze %dma_wait3A_43 : memref<1x16x128xf32, #tpu.memory_space<hbm>> -> memref<16x128xf32, #tpu.memory_space<hbm>>
        %dma_wait3A_45 = arith.constant 9984 : i32
        %dma_wait3A_46 = arith.constant 0 : i32
        %dma_wait3A_47 = tpu.memref_slice %arg13[%dma_wait3A_45, %dma_wait3A_46] : memref<10112x128xf32, #tpu.memory_space<vmem_shared>> -> memref<16x128xf32, #tpu.memory_space<vmem_shared>>
        tpu.wait_dma2 semaphore(%run_scoped3A : memref<!tpu.dma_semaphore, #tpu.memory_space<semaphore_mem>>) src(%dma_wait3A_47 : memref<16x128xf32, #tpu.memory_space<vmem_shared>>) dst(%dma_wait3A_44 : memref<16x128xf32, #tpu.memory_space<hbm>>)
        tpu.yield
      }) : () -> ()
    } else {
    }
    return
  }
}

module attributes {stable_mosaic.version = 14 : i64} {
  func.func @_lin_tanh_body(%arg0: i32, %arg1: memref<2x2000x128xf32, #tpu.memory_space<vmem>>, %arg2: memref<128x128xf32, #tpu.memory_space<vmem>>, %arg3: memref<1x128xf32, #tpu.memory_space<vmem>>, %arg4: memref<2000x128xf32, #tpu.memory_space<vmem>>) attributes {dimension_semantics = [#tpu.dimension_semantics<arbitrary>], iteration_bounds = array<i64: 5>, scalar_prefetch = 0 : i64, scratch_operands = 0 : i64, tpu.core_type = #tpu.core_type<tc>, window_params = [{transform_indices = @transform_0, window_bounds = array<i64: 2, 2000, 128>}, {pipeline_mode = #tpu.pipeline_mode<synchronous>, transform_indices = @transform_1, window_bounds = array<i64: 128, 128>}, {pipeline_mode = #tpu.pipeline_mode<synchronous>, transform_indices = @transform_2, window_bounds = array<i64: 1, 128>}, {transform_indices = @transform_3, window_bounds = array<i64: 2000, 128>}]} {
    %get3A = arith.constant 0 : index
    %get3A_0 = arith.constant 0 : index
    %get3A_1 = arith.constant 0 : index
    %get3A_2 = vector.load %arg1[%get3A, %get3A_0, %get3A_1] : memref<2x2000x128xf32, #tpu.memory_space<vmem>>, vector<1x2000x128xf32>
    %get3A_3 = vector.shape_cast %get3A_2 : vector<1x2000x128xf32> to vector<2000x128xf32>
    %get3A_4 = arith.constant 1 : index
    %get3A_5 = arith.constant 0 : index
    %get3A_6 = arith.constant 0 : index
    %get3A_7 = vector.load %arg1[%get3A_4, %get3A_5, %get3A_6] : memref<2x2000x128xf32, #tpu.memory_space<vmem>>, vector<1x2000x128xf32>
    %get3A_8 = vector.shape_cast %get3A_7 : vector<1x2000x128xf32> to vector<2000x128xf32>
    %add3A = arith.addf %get3A_3, %get3A_8 : vector<2000x128xf32>
    %get3A_9 = arith.constant 0 : index
    %get3A_10 = arith.constant 0 : index
    %get3A_11 = vector.load %arg2[%get3A_9, %get3A_10] : memref<128x128xf32, #tpu.memory_space<vmem>>, vector<128x128xf32>
    %dot_general3A = arith.constant dense<0.000000e+00> : vector<2000x128xf32>
    %dot_general3A_12 = tpu.matmul %add3A, %get3A_11, %dot_general3A {dimension_numbers = #tpu.dot_dimension_numbers<[1], [0], [0], [1], [0, 0, 1, 1], [], []>, transpose_lhs_hint = false} : vector<2000x128xf32>, vector<128x128xf32>, vector<2000x128xf32> -> vector<2000x128xf32>
    %get3A_13 = arith.constant 0 : index
    %get3A_14 = arith.constant 0 : index
    %get3A_15 = vector.load %arg3[%get3A_13, %get3A_14] : memref<1x128xf32, #tpu.memory_space<vmem>>, vector<1x128xf32>
    %add3A_16 = vector.broadcast %get3A_15 : vector<1x128xf32> to vector<2000x128xf32>
    %add3A_17 = arith.addf %dot_general3A_12, %add3A_16 : vector<2000x128xf32>
    %tanh3A = math.tanh %add3A_17 : vector<2000x128xf32>
    %swap3A = arith.constant 0 : index
    %swap3A_18 = arith.constant 0 : index
    %swap3A_19 = vector.load %arg4[%swap3A, %swap3A_18] : memref<2000x128xf32, #tpu.memory_space<vmem>>, vector<2000x128xf32>
    tpu.vector_store %arg4[%swap3A, %swap3A_18], %tanh3A {strides = array<i32>} : memref<2000x128xf32, #tpu.memory_space<vmem>>, vector<2000x128xf32>,
    return
  }
  func.func @transform_0(%arg0: i32) -> (i32, i32, i32) {
    %c0_i32 = arith.constant 0 : i32
    %c0_i32_0 = arith.constant 0 : i32
    %c0_i32_1 = arith.constant 0 : i32
    return %c0_i32, %arg0, %c0_i32_0 : i32, i32, i32
  }
  func.func @transform_1(%arg0: i32) -> (i32, i32) {
    %c0_i32 = arith.constant 0 : i32
    %c0_i32_0 = arith.constant 0 : i32
    %c0_i32_1 = arith.constant 0 : i32
    return %c0_i32, %c0_i32_0 : i32, i32
  }
  func.func @transform_2(%arg0: i32) -> (i32, i32) {
    %c0_i32 = arith.constant 0 : i32
    %c0_i32_0 = arith.constant 0 : i32
    %c0_i32_1 = arith.constant 0 : i32
    return %c0_i32, %c0_i32_0 : i32, i32
  }
  func.func @transform_3(%arg0: i32) -> (i32, i32) {
    %c0_i32 = arith.constant 0 : i32
    %c0_i32_0 = arith.constant 0 : i32
    return %arg0, %c0_i32 : i32, i32
  }
}

module attributes {stable_mosaic.version = 14 : i64} {
  func.func @_head_body(%arg0: i32, %arg1: memref<2x2000x128xf32, #tpu.memory_space<vmem>>, %arg2: memref<128x128xf32, #tpu.memory_space<vmem>>, %arg3: memref<1x128xf32, #tpu.memory_space<vmem>>, %arg4: memref<128x128xf32, #tpu.memory_space<vmem>>, %arg5: memref<1x128xf32, #tpu.memory_space<vmem>>, %arg6: memref<2000x1xi32, #tpu.memory_space<vmem>>, %arg7: memref<2000x1xf32, #tpu.memory_space<vmem>>) attributes {dimension_semantics = [#tpu.dimension_semantics<arbitrary>], iteration_bounds = array<i64: 5>, scalar_prefetch = 0 : i64, scratch_operands = 0 : i64, tpu.core_type = #tpu.core_type<tc>, window_params = [{transform_indices = @transform_0, window_bounds = array<i64: 2, 2000, 128>}, {pipeline_mode = #tpu.pipeline_mode<synchronous>, transform_indices = @transform_1, window_bounds = array<i64: 128, 128>}, {pipeline_mode = #tpu.pipeline_mode<synchronous>, transform_indices = @transform_2, window_bounds = array<i64: 1, 128>}, {pipeline_mode = #tpu.pipeline_mode<synchronous>, transform_indices = @transform_3, window_bounds = array<i64: 128, 128>}, {pipeline_mode = #tpu.pipeline_mode<synchronous>, transform_indices = @transform_4, window_bounds = array<i64: 1, 128>}, {transform_indices = @transform_5, window_bounds = array<i64: 2000, 1>}, {transform_indices = @transform_6, window_bounds = array<i64: 2000, 1>}]} {
    %get3A = arith.constant 0 : index
    %get3A_0 = arith.constant 0 : index
    %get3A_1 = arith.constant 0 : index
    %get3A_2 = vector.load %arg1[%get3A, %get3A_0, %get3A_1] : memref<2x2000x128xf32, #tpu.memory_space<vmem>>, vector<1x2000x128xf32>
    %get3A_3 = vector.shape_cast %get3A_2 : vector<1x2000x128xf32> to vector<2000x128xf32>
    %get3A_4 = arith.constant 1 : index
    %get3A_5 = arith.constant 0 : index
    %get3A_6 = arith.constant 0 : index
    %get3A_7 = vector.load %arg1[%get3A_4, %get3A_5, %get3A_6] : memref<2x2000x128xf32, #tpu.memory_space<vmem>>, vector<1x2000x128xf32>
    %get3A_8 = vector.shape_cast %get3A_7 : vector<1x2000x128xf32> to vector<2000x128xf32>
    %add3A = arith.addf %get3A_3, %get3A_8 : vector<2000x128xf32>
    %get3A_9 = arith.constant 0 : index
    %get3A_10 = arith.constant 0 : index
    %get3A_11 = vector.load %arg2[%get3A_9, %get3A_10] : memref<128x128xf32, #tpu.memory_space<vmem>>, vector<128x128xf32>
    %dot_general3A = arith.constant dense<0.000000e+00> : vector<2000x128xf32>
    %dot_general3A_12 = tpu.matmul %add3A, %get3A_11, %dot_general3A {dimension_numbers = #tpu.dot_dimension_numbers<[1], [0], [0], [1], [0, 0, 1, 1], [], []>, transpose_lhs_hint = false} : vector<2000x128xf32>, vector<128x128xf32>, vector<2000x128xf32> -> vector<2000x128xf32>
    %get3A_13 = arith.constant 0 : index
    %get3A_14 = arith.constant 0 : index
    %get3A_15 = vector.load %arg3[%get3A_13, %get3A_14] : memref<1x128xf32, #tpu.memory_space<vmem>>, vector<1x128xf32>
    %add3A_16 = vector.broadcast %get3A_15 : vector<1x128xf32> to vector<2000x128xf32>
    %add3A_17 = arith.addf %dot_general3A_12, %add3A_16 : vector<2000x128xf32>
    %tanh3A = math.tanh %add3A_17 : vector<2000x128xf32>
    %get3A_18 = arith.constant 0 : index
    %get3A_19 = arith.constant 0 : index
    %get3A_20 = vector.load %arg4[%get3A_18, %get3A_19] : memref<128x128xf32, #tpu.memory_space<vmem>>, vector<128x128xf32>
    %dot_general3A_21 = arith.constant dense<0.000000e+00> : vector<2000x128xf32>
    %dot_general3A_22 = tpu.matmul %tanh3A, %get3A_20, %dot_general3A_21 {dimension_numbers = #tpu.dot_dimension_numbers<[1], [0], [0], [1], [0, 0, 1, 1], [], []>, transpose_lhs_hint = false} : vector<2000x128xf32>, vector<128x128xf32>, vector<2000x128xf32> -> vector<2000x128xf32>
    %get3A_23 = arith.constant 0 : index
    %get3A_24 = arith.constant 0 : index
    %get3A_25 = vector.load %arg5[%get3A_23, %get3A_24] : memref<1x128xf32, #tpu.memory_space<vmem>>, vector<1x128xf32>
    %add3A_26 = vector.broadcast %get3A_25 : vector<1x128xf32> to vector<2000x128xf32>
    %add3A_27 = arith.addf %dot_general3A_22, %add3A_26 : vector<2000x128xf32>
    %iota3A = tpu.iota {dimensions = array<i32: 1>} : vector<2000x128xi32>
    %lt3A = arith.constant 5 : i32
    %lt3A_28 = vector.broadcast %lt3A : i32 to vector<2000x128xi32>
    %lt3A_29 = arith.cmpi slt, %iota3A, %lt3A_28 : vector<2000x128xi32>
    %jit3A = arith.constant 0xFF800000 : f32
    %broadcast_in_dim3A = vector.broadcast %jit3A : f32 to vector<2000x128xf32>
    %select_n3A = arith.select %lt3A_29, %add3A_27, %broadcast_in_dim3A : vector<2000x128xi1>, vector<2000x128xf32>
    %reduce_max3A = arith.constant dense<0xFF800000> : vector<2000xf32>
    %reduce_max3A_30 = vector.multi_reduction <maximumf>, %select_n3A, %reduce_max3A [1] : vector<2000x128xf32> to vector<2000xf32>
    %broadcast_in_dim3A_31 = vector.shape_cast %reduce_max3A_30 : vector<2000xf32> to vector<2000x1xf32>
    %eq3A = vector.broadcast %broadcast_in_dim3A_31 : vector<2000x1xf32> to vector<2000x128xf32>
    %eq3A_32 = arith.cmpf oeq, %select_n3A, %eq3A : vector<2000x128xf32>
    %jit3A_33 = arith.constant 128 : i32
    %broadcast_in_dim3A_34 = vector.broadcast %jit3A_33 : i32 to vector<2000x128xi32>
    %select_n3A_35 = arith.select %eq3A_32, %iota3A, %broadcast_in_dim3A_34 : vector<2000x128xi1>, vector<2000x128xi32>
    %reduce_min3A = arith.constant dense<2147483647> : vector<2000xi32>
    %reduce_min3A_36 = vector.multi_reduction <minsi>, %select_n3A_35, %reduce_min3A [1] : vector<2000x128xi32> to vector<2000xi32>
    %broadcast_in_dim3A_37 = vector.shape_cast %reduce_min3A_36 : vector<2000xi32> to vector<2000x1xi32>
    %sub3A = vector.broadcast %broadcast_in_dim3A_31 : vector<2000x1xf32> to vector<2000x128xf32>
    %sub3A_38 = arith.subf %select_n3A, %sub3A : vector<2000x128xf32>
    %exp3A = math.exp %sub3A_38 : vector<2000x128xf32>
    %jit3A_39 = arith.constant 0.000000e+00 : f32
    %broadcast_in_dim3A_40 = vector.broadcast %jit3A_39 : f32 to vector<2000x128xf32>
    %select_n3A_41 = arith.select %lt3A_29, %exp3A, %broadcast_in_dim3A_40 : vector<2000x128xi1>, vector<2000x128xf32>
    %reduce_sum3A = arith.constant dense<0.000000e+00> : vector<2000xf32>
    %reduce_sum3A_42 = vector.multi_reduction <add>, %select_n3A_41, %reduce_sum3A [1] : vector<2000x128xf32> to vector<2000xf32>
    %broadcast_in_dim3A_43 = vector.shape_cast %reduce_sum3A_42 : vector<2000xf32> to vector<2000x1xf32>
    %swap3A = arith.constant 0 : index
    %swap3A_44 = arith.constant 0 : index
    %swap3A_45 = vector.load %arg6[%swap3A, %swap3A_44] : memref<2000x1xi32, #tpu.memory_space<vmem>>, vector<2000x1xi32>
    tpu.vector_store %arg6[%swap3A, %swap3A_44], %broadcast_in_dim3A_37 {strides = array<i32>} : memref<2000x1xi32, #tpu.memory_space<vmem>>, vector<2000x1xi32>,
    %log3A = math.log %broadcast_in_dim3A_43 : vector<2000x1xf32>
    %neg3A = arith.constant 0.000000e+00 : f32
    %neg3A_46 = vector.broadcast %neg3A : f32 to vector<2000x1xf32>
    %neg3A_47 = arith.subf %neg3A_46, %log3A : vector<2000x1xf32>
    %swap3A_48 = arith.constant 0 : index
    %swap3A_49 = arith.constant 0 : index
    %swap3A_50 = vector.load %arg7[%swap3A_48, %swap3A_49] : memref<2000x1xf32, #tpu.memory_space<vmem>>, vector<2000x1xf32>
    tpu.vector_store %arg7[%swap3A_48, %swap3A_49], %neg3A_47 {strides = array<i32>} : memref<2000x1xf32, #tpu.memory_space<vmem>>, vector<2000x1xf32>,
    return
  }
  func.func @transform_0(%arg0: i32) -> (i32, i32, i32) {
    %c0_i32 = arith.constant 0 : i32
    %c0_i32_0 = arith.constant 0 : i32
    %c0_i32_1 = arith.constant 0 : i32
    return %c0_i32, %arg0, %c0_i32_0 : i32, i32, i32
  }
  func.func @transform_1(%arg0: i32) -> (i32, i32) {
    %c0_i32 = arith.constant 0 : i32
    %c0_i32_0 = arith.constant 0 : i32
    %c0_i32_1 = arith.constant 0 : i32
    return %c0_i32, %c0_i32_0 : i32, i32
  }
  func.func @transform_2(%arg0: i32) -> (i32, i32) {
    %c0_i32 = arith.constant 0 : i32
    %c0_i32_0 = arith.constant 0 : i32
    %c0_i32_1 = arith.constant 0 : i32
    return %c0_i32, %c0_i32_0 : i32, i32
  }
  func.func @transform_3(%arg0: i32) -> (i32, i32) {
    %c0_i32 = arith.constant 0 : i32
    %c0_i32_0 = arith.constant 0 : i32
    %c0_i32_1 = arith.constant 0 : i32
    return %c0_i32, %c0_i32_0 : i32, i32
  }
  func.func @transform_4(%arg0: i32) -> (i32, i32) {
    %c0_i32 = arith.constant 0 : i32
    %c0_i32_0 = arith.constant 0 : i32
    %c0_i32_1 = arith.constant 0 : i32
    return %c0_i32, %c0_i32_0 : i32, i32
  }
  func.func @transform_5(%arg0: i32) -> (i32, i32) {
    %c0_i32 = arith.constant 0 : i32
    %c0_i32_0 = arith.constant 0 : i32
    return %arg0, %c0_i32 : i32, i32
  }
  func.func @transform_6(%arg0: i32) -> (i32, i32) {
    %c0_i32 = arith.constant 0 : i32
    %c0_i32_0 = arith.constant 0 : i32
    return %arg0, %c0_i32 : i32, i32
  }
}

</mosaic_0001>

<sc_bundles>
// kernel: kernel.6.cloned.1.call-start
scs
__scs_entry_jumppad:
0x0: {  	(pc) =	sbr.rel $0x88, $3  }
0x1: {  	(tag) =	ssettag $0x0;
	lr =	simm.s32 $0x1  }
0x2: {  	[smem:$0x3F99] =	sst lr;
	_ =	strace $0xD0000000  }
0x3: {  	_ = 	snop  }
0x4: {  	_ = 	snop  }
0x5: {  	_ = 	snop  }
0x6: {  	_ = 	snop  }
0x7: {  	_ = 	snop  }
__scs_overlays_trampoline_lowered:
0x8: {  	[smem:$0x3FA8] =	sst s0  }
0x9: {  	[smem:$0x3FA9] =	sst s1  }
0xa: {  	[smem:$0x3FAA] =	sst s2  }
0xb: {  	[smem:$0x3FAB] =	sst s3  }
0xc: {  	[smem:$0x3FAC] =	sst s4  }
0xd: {  	[smem:$0x3FAD] =	sst s5  }
0xe: {  	[smem:$0x3FAE] =	sst s6  }
0xf: {  	[smem:$0x3FAF] =	sst s7  }
0x10: {  	[smem:$0x3FB0] =	sst s8  }
0x11: {  	[smem:$0x3FB1] =	sst s9;
	s0 =	simm.s32 @!p0 $0x0  }
0x12: {  	s1 =	sld [smem:$0x3F97];
	s0 =	simm.s32 @p0 $0x1  }
0x13: {  	[smem:$0x3FB2] =	sst s0;
	s0 =	simm.s32 @!p1 $0x0  }
0x14: {  	s2 =	sld [smem:$0x3F96];
	s0 =	simm.s32 @p1 $0x1  }
0x15: {  	[smem:$0x3FB3] =	sst s0;
	s0 =	simm.s32 @!p2 $0x0  }
0x16: {  	s3 =	sld [smem:$0x3FDB];
	s0 =	simm.s32 @p2 $0x1  }
0x17: {  	s4 =	simm.s32 $0x1BF5;
	[smem:$0x3FB5] =	sst s0  }
0x18: {  	s0 =	sld [smem:$0x3F98];
	_ =	swait.ge [sflag:s4], $0x0  }
0x19: {  	s7 =	sld [smem:$0x3F99]  }
0x1a: {  	s8 =	sadd.s32 $0xFFFFE003, lr  }
0x1b: {  	s9 =	sadd.s32 $0xFFFFFEF7, lr;
	s5 =	simm.s32 $0xFFFFFFFF;
	p2 =	slt.u32 s8, $0xFFFFF086  }
0x1c: {  	p1 =	slt.u32 s9, $0xF7A;
	s5 =	simm.s32 @!p2 $0x0  }
0x1d: {  	s5 =	simm.s32 @p1 $0x1;
	p0 =	seq.s32 s7, s2  }
0x1e: {  	s7 =	smul.u32 @!p0 $0xF7A, s2;
	p2 =	seq.s32 @!p0 s5, $0x0  }
0x1f: {  	s9 =	smul.u32 $0xF7A, s1;
	s8 =	simm.s32 @!p0 $0x1BF5;
	p2 =	por !p2, p0  }
0x20: {  	[sflag:s8] =	ssyncset.s32 @!p0 $0xFFFFF086;
	s6 =	sadd.s32 @!p0 s3, s7;
	s7 =	simm.s32 @!p0 $0x108  }
0x21: {  	s3 =	sadd.s32 s3, s9;
	s6 =	sadd.s32 @!p0 $0x88, s6;
	s7 =	simm.s32 @p2 $0x1082  }
0x22: {  	[simem:s7], [sflag:s8] =	dma.local @!p0 [hbm:s6], $0xF7A  }
0x23: {  	s9 =	sor.u32 $0xD0000000, s2;
	s6 =	simm.s32 $0x108;
	_ =	swait.ge @!p0 [sflag:s8], $0x0  }
0x24: {  	s3 =	sadd.s32 $0x88, s3;
	s6 =	simm.s32 @!p1 $0x1082;
	[sflag:s4] =	ssyncset.s32 $0xFFFFF086  }
0x25: {  	[simem:s6], [sflag:s4] =	dma.local [hbm:s3], $0xF7A  }
0x26: {  	[smem:$0x3F99] =	sst s1;
	(tag) =	ssettag s2;
	_ =	strace s9  }
0x27: {  	s1 =	sld [smem:$0x3FA9]  }
0x28: {  	s2 =	sld [smem:$0x3FAA]  }
0x29: {  	s4 =	sld [smem:$0x3FAC]  }
0x2a: {  	p0 =	seq.s32 s5, $0x0;
	s5 =	sld [smem:$0x3FAD]  }
0x2b: {  	s6 =	sld [smem:$0x3FAE]  }
0x2c: {  	s7 =	sld [smem:$0x3FAF]  }
0x2d: {  	s3 =	simm.s32 $0x108;
	s8 =	sld [smem:$0x3FB0]  }
0x2e: {  	s3 =	simm.s32 @!p0 $0x1082;
	s9 =	sld [smem:$0x3FB1]  }
0x2f: {  	lr =	sadd.s32 s0, s3;
	s0 =	sld [smem:$0x3FA8]  }
0x30: {  	s3 =	sld [smem:$0x3FAB]  }
0x31: {  	[smem:$0x3FB4] =	sst s10  }
0x32: {  	s10 =	sld [smem:$0x3FB2];
	_ =	sdelay $0x3  }
0x33: {  	p0 =	seq.s32 s10, $0x1;
	s10 =	sld [smem:$0x3FB4];
	_ =	sdelay $0x3  }
0x34: {  	[smem:$0x3FB4] =	sst s10  }
0x35: {  	s10 =	sld [smem:$0x3FB3];
	_ =	sdelay $0x3  }
0x36: {  	p1 =	seq.s32 s10, $0x1;
	s10 =	sld [smem:$0x3FB4];
	_ =	sdelay $0x3  }
0x37: {  	[smem:$0x3FB4] =	sst s10  }
0x38: {  	s10 =	sld [smem:$0x3FB5]  }
0x39: {  	_ = 	snop;
	(pc) =	sbr.ind lr, $3  }
0x3a: {  	_ = 	snop  }
0x3b: {  	_ = 	snop  }
0x3c: {  	p2 =	seq.s32 s10, $0x1;
	s10 =	sld [smem:$0x3FB4]  }
0x3d: {  	_ =	shalt  }
0x3e: {  	_ =	shalt  }
0x3f: {  	_ =	shalt  }
0x40: {  	_ =	shalt  }
0x41: {  	_ =	shalt  }
0x42: {  	_ =	shalt  }
0x43: {  	_ =	shalt  }
0x44: {  	_ =	shalt  }
0x45: {  	_ =	shalt  }
0x46: {  	_ =	shalt  }
0x47: {  	_ =	shalt  }
0x48: {  	_ =	shalt  }
0x49: {  	_ =	shalt  }
0x4a: {  	_ =	shalt  }
0x4b: {  	_ =	shalt  }
0x4c: {  	_ =	shalt  }
0x4d: {  	_ =	shalt  }
0x4e: {  	_ =	shalt  }
0x4f: {  	_ =	shalt  }
0x50: {  	_ =	shalt  }
0x51: {  	_ =	shalt  }
0x52: {  	_ =	shalt  }
0x53: {  	_ =	shalt  }
0x54: {  	_ =	shalt  }
0x55: {  	_ =	shalt  }
0x56: {  	_ =	shalt  }
0x57: {  	_ =	shalt  }
0x58: {  	_ =	shalt  }
0x59: {  	_ =	shalt  }
0x5a: {  	_ =	shalt  }
0x5b: {  	_ =	shalt  }
0x5c: {  	_ =	shalt  }
0x5d: {  	_ =	shalt  }
0x5e: {  	_ =	shalt  }
0x5f: {  	_ =	shalt  }
0x60: {  	_ =	shalt  }
0x61: {  	_ =	shalt  }
0x62: {  	_ =	shalt  }
0x63: {  	_ =	shalt  }
0x64: {  	_ =	shalt  }
0x65: {  	_ =	shalt  }
0x66: {  	_ =	shalt  }
0x67: {  	_ =	shalt  }
0x68: {  	_ =	shalt  }
0x69: {  	_ =	shalt  }
0x6a: {  	_ =	shalt  }
0x6b: {  	_ =	shalt  }
0x6c: {  	_ =	shalt  }
0x6d: {  	_ =	shalt  }
0x6e: {  	_ =	shalt  }
0x6f: {  	_ =	shalt  }
0x70: {  	_ =	shalt  }
0x71: {  	_ =	shalt  }
0x72: {  	_ =	shalt  }
0x73: {  	_ =	shalt  }
0x74: {  	_ =	shalt  }
0x75: {  	_ =	shalt  }
0x76: {  	_ =	shalt  }
0x77: {  	_ =	shalt  }
0x78: {  	_ =	shalt  }
0x79: {  	_ =	shalt  }
0x7a: {  	_ =	shalt  }
0x7b: {  	_ =	shalt  }
0x7c: {  	_ =	shalt  }
0x7d: {  	_ =	shalt  }
0x7e: {  	_ =	shalt  }
0x7f: {  	_ =	shalt  }
0x80: {  	_ =	shalt  }
0x81: {  	_ =	shalt  }
0x82: {  	_ =	shalt  }
0x83: {  	_ =	shalt  }
0x84: {  	_ =	shalt  }
0x85: {  	_ =	shalt  }
0x86: {  	_ =	shalt  }
0x87: {  	_ =	shalt  }
.Lfunc_end0:
.L_simem_size_0:
called_computation_lowered:
.L_overlay_start_0:
0x88: {  	s2 =	sld [smem:$0x3FD9]  }
0x89: {  	s3 =	sld [smem:$0x3FFE];
	_ =	sdelay $0x1  }
0x8a: {  	s1 =	srdreg.scid  }
0x8b: {  	s0 =	sand.u32 $0x1, s1  }
0x8c: {  	s17 =	sshll.u32 s0, $0xA;
	s2 =	sadd.s32 s3, s2  }
0x8d: {  	s2 =	sadd.s32 s2, s17  }
0x8e: {  	[smem:$0x3FC0] =	sst s2  }
0x8f: {  	_ = 	snop  }
0x90: {  	s2 =	sld [smem:$0x3FC9];
	(tm) =	ssettm $0x1  }
0x91: {  	s18 =	sld [smem:$0x3FFB];
	_ =	sdelay $0x3  }
0x92: {  	_ =	strace s18  }
0x93: {  	s3 =	sld [smem:$0x3FFC];
	_ =	sdelay $0x3  }
0x94: {  	_ =	strace s3  }
0x95: {  	s3 =	sld [smem:$0x3FFD];
	_ =	sdelay $0x3  }
0x96: {  	_ =	strace s3  }
0x97: {  	_ =	strace $0x8FFFFFFF  }
0x98: {  	s19 =	sld [smem:$0x3FDB];
	_ =	sdelay $0x1  }
0x99: {  	s4 =	simm.s32 $_scs_section_size  }
0x9a: {  	s5 =	simm.s32 $_size__tile_overlayer_lowered;
	s6 =	simm.s32 $_tile_overlayer_lowered  }
0x9b: {  	s22 =	simm.s32 $0x1BFF;
	s21 =	sshll.u32 s6, $0x1;
	s3 =	sadd.s32 s4, s19  }
0x9c: {  	s7 =	simm.s32 $0x0;
	s20 =	sshll.u32 s5, $0x1;
	s5 =	sadd.s32 s21, s3  }
0x9d: {  	[timem:s7], [sflag:s22] =	dma.local [hbm:s5], s20  }
0x9e: {  	_ =	swait.ge [sflag:s22], s20  }
0x9f: {  	s4 =	ssub.s32 $0x0, s20;
	[sflag:s22] =	ssyncset.done $0x0  }
0xa0: {  	[sflag:s22] =	ssyncadd.s32 s4;
	_ =	sdelay $0x1  }
0xa1: {  	s23 =	simm.s32 $0x1B8B  }
0xa2: {  	_ =	swait.ge [sflag:s23], $0x1  }
0xa3: {  	[sflag:s23] =	ssyncset.done $0x0  }
0xa4: {  	s25 =	simm.s32 $0x1B8E;
	s24 =	sld [smem:$0x3FFE];
	[sflag:s23] =	ssyncadd.s32 $0xFFFFFFFF  }
0xa5: {  	s26 =	simm.s32 $execute0_lowered;
	[smem:$0x3FD2] =	sst s25  }
0xa6: {  	s5 =	sshll.u32 s26, $0x1;
	_ =	strace $0x80000046;
	[dreg:$0x1] =	wrdreg $0xFFFFFFFF  }
0xa7: {  	s28 =	simm.s32 $_size_execute0_lowered;
	s3 =	sadd.s32 s3, s5;
	[dreg:$0x0] =	wrdreg $0x0  }
0xa8: {  	s5 =	sshll.u32 s28, $0x1;
	[dreg:$0x2] =	wrdreg s3  }
0xa9: {  	[dreg:$0x3] =	wrdreg s5  }
0xaa: {  	[dreg:$0x4] =	wrdreg $0xC0  }
0xab: {  	_ =	task [dreg:s7], $0x5FFFF  }
0xac: {  	[dreg:$0x1] =	wrdreg $0xFFFFFFFF  }
0xad: {  	[dreg:$0x0] =	wrdreg $0x60  }
0xae: {  	[dreg:$0x2] =	wrdreg s2  }
0xaf: {  	[dreg:$0x3] =	wrdreg s24  }
0xb0: {  	[dreg:$0x4] =	wrdreg $0x88000  }
0xb1: {  	[dreg:$0x5] =	wrdreg $0x9  }
0xb2: {  	_ =	task.clear_ibuf [dreg:s7], $0x6FFFF;
	_ =	strace $0x90000046  }
0xb3: {  	s29 =	simm.s32 $0x9;
	_ =	strace $0x80000048  }
0xb4: {  	_ =	swait.ge [sflag:s29], $0x1  }
0xb5: {  	[sflag:s29] =	ssyncadd.s32 $0xFFFFFFFF  }
0xb6: {  	_ =	strace $0x90000048  }
0xb7: {  	_ =	sfence  }
0xb8: {  	s30 =	sld [smem:$0x0];
	_ =	sdelay $0x2  }
0xb9: {  	s31 =	sshll.u32 s1, $0xD;
	s1 =	sshrl.u32 s1, $0x2  }
0xba: {  	s3 =	sand.u32 $0x4000, s31;
	s1 =	sadd.s32 s1, s30  }
0xbb: {  	s0 =	sor.u32 s3, s0;
	s1 =	sshll.u32 s1, $0x11  }
0xbc: {  	s0 =	sor.u32 s1, s0  }
0xbd: {  	s0 =	sadd.s32 $0x8F2B, s0  }
0xbe: {  	[sflag:s0] =	ssyncadd.remote.s32 $0x1  }
0xbf: {  	_ =	sfence.sel $0xFFFF  }
0xc0: {  	[dreg:$0x0] =	wrdreg $0xFFFFFFFF;
	(pc) =	sbr.abs _section_cstart, $3  }
0xc1: {  	[dreg:$0x1] =	wrdreg $0xFFFFFFFF  }
0xc2: {  	_ =	task.clear_ibuf [dreg:s7], $0x2FFFF;
	_ =	strace $0x9FFFFFFF  }
0xc3: {  	(tm) =	ssettm $0x7FFFFFFF  }
tec
execute0_lowered:
.L_overlay_start_1:
0x0: {  	(tag) =	ssettag $0x1  }
0x1: {  	s1 =	rddreg [dreg:$0x0]  }
0x2: {  	s0 =	rddreg [dreg:$0x1]  }
0x3: {  	s2 =	rddreg [dreg:$0x2];
	s4 =	simm.s32 $0x0  }
0x4: {  	s3 =	srdreg.scid;
	s24 =	stileid.u32;
	s28 =	simm.s32 $0x500  }
0x5: {  	s29 =	simm.s32 $0x580;
	s30 =	simm.s32 $0x4;
	s31 =	simm.s32 $0x280  }
0x6: {  	[smem:$0x7FF] =	sst s4;
	s3 =	sand.u32 $0x1, s3;
	s5 =	sshll.u32 s24, $0x1  }
0x7: {  	s7 =	sadd.s32 $0xAE00, s0;
	s6 =	smul.u32 $0x4F000, s24;
	s8 =	sadd.s32 $0xE00, s0  }
0x8: {  	s10 =	sadd.s32 $0x14E00, s0;
	s0 =	sadd.s32 $0x17600, s0;
	s25 =	smul.u32 $0x13800, s24  }
0x9: {  	s12 =	sshll.u32 s24, $0x6;
	s13 =	smul.u32 $0x28, s24;
	p0 =	sne.s32 s24, $0xF  }
0xa: {  	_ =	strace $0x80000047;
	s5 =	sor.u32 s3, s5;
	s11 =	smul.u32 $0x138800, s3  }
0xb: {  	s9 =	ssub.s32 $0x2, s3;
	[dreg:$0x9] =	wrdreg s10;
	s3 =	smul.u32 $0x14, s3  }
0xc: {  	s5 =	smul.u32 $0x500, s5;
	s23 =	sshrl.u32 s9, $0x1;
	s6 =	sshrl.u32 s6, $0x2  }
0xd: {  	s9 =	ssub.s32 s9, s23;
	s14 =	sadd.s32 s6, s2;
	s6 =	sor.u32 $0x1C05, s12  }
0xe: {  	s10 =	sadd.s32 s25, s11;
	s12 =	smul.u32 $0x4E000, s24;
	s3 =	sadd.s32 s3, s13  }
0xf: {  	s15 =	sshrl.u32 s11, $0x3;
	s13 =	simm.s32 $0x5;
	s25 =	simm.s32 $0x100  }
0x10: {  	s26 =	sadd.s32 s7, s5;
	s5 =	sadd.s32 s8, s5;
	s3 =	sshll.u32 s3, $0x6  }
0x11: {  	s22 =	smax.u32 s9, $0x1;
	s23 =	sshrl.u32 s14, $0x3;
	[dreg:$0x8] =	wrdreg s25  }
0x12: {  	s14 =	simm.s32 $0x400;
	s9 =	simm.s32 $0x0;
	[dreg:$0xa] =	wrdreg s26  }
0x13: {  	[dreg:$0xb] =	wrdreg s5;
	s5 =	sshrl.u32 s10, $0x3;
	s10 =	sshrl.u32 s12, $0x2  }
0x14: {  	s16 =	sor.u32 $0x80, s3;
	s19 =	sadd.s32 s3, s7;
	[dreg:$0xe] =	wrdreg s22  }
0x15: {  	s3 =	sadd.s32 s3, s8;
	[dreg:$0xf] =	wrdreg s23;
	s22 =	simm.s32 $0x2  }
0x16: {  	s23 =	simm.s32 $0x480;
	s5 =	sadd.s32 s0, s5;
	s0 =	sadd.s32 s0, s15  }
0x17: {  	s10 =	sadd.s32 s10, s2;
	s17 =	sadd.s32 s16, s7;
	s18 =	sadd.s32 s16, s8  }
0x18: {  	s20 =	sadd.s32 $0x40, s19;
	s21 =	sadd.s32 $0x40, s3;
	[dreg:$0xc] =	wrdreg s5  }
0x19: {  	s15 =	simm.s32 $0x3;
	s16 =	simm.s32 $0x200;
	[dreg:$0x4] =	wrdreg s17  }
0x1a: {  	s19 =	simm.s32 $0x800;
	s3 =	simm.s32 $0x680;
	[dreg:$0x5] =	wrdreg s18  }
0x1b: {  	s7 =	simm.s32 $0x700;
	s8 =	simm.s32 $0x780;
	[dreg:$0x6] =	wrdreg s20  }
0x1c: {  	s0 =	sadd.s32 $0x27000, s0;
	s5 =	sadd.s32 $0x138000, s2;
	[dreg:$0x7] =	wrdreg s21  }
0x1d: {  	s17 =	simm.s32 $0x600;
	s18 =	simm.s32 $0x80;
	s20 =	simm.s32 $0x1  }
0x1e: {  	s21 =	simm.s32 $0x4800;
	s26 =	sshrl.u32 s10, $0x3;
	[dreg:$0xd] =	wrdreg s0  }
0x1f: {  	[dreg:$0x10] =	wrdreg s26;
	s0 =	sshrl.u32 @!p0 s5, $0x3;
	s26 =	simm.s32 $0x180  }
0x20: {  	s5 =	simm.s32 $0x380;
	[dreg:$0x11] =	wrdreg s0;
	s0 =	simm.s32 $0x300  }
.LBB2_1:
0x21: {  	s10 =	rddreg [dreg:$0x9]  }
0x22: {  	s11 =	rddreg [dreg:$0xf]  }
0x23: {  	[spmem:s11], [sflag:s6] =	dma.local [hbm:s10], $0x2780  }
0x24: {  	_ =	swait.ge [sflag:s13], $0x2780  }
0x25: {  	[sflag:s13] =	ssyncset.done $0x0  }
0x26: {  	[sflag:s13] =	ssyncadd.s32 $0xFFFFD880  }
0x27: {  	[bflag:$0x0] =	sbarrier.arrive $0xFFFF  }
0x28: {  	s24 =	rddreg [dreg:$0xa]  }
0x29: {  	[tilespmem:s4], [sflag:$0x3] =	stream.linear.gather [hbm4b:s24+s4], $0x200, $0x38;
	[tilespmem:$0x1C400] =	vst v63  }
0x2a: {  	s25 =	rddreg [dreg:$0xb]  }
0x2b: {  	[tilespmem:s14], [sflag:$0x3] =	stream.linear.gather [hbm4b:s25+s4], $0x200, $0x38;
	[tilespmem:$0x1C400] =	vst v63  }
0x2c: {  	_ =	swait.ge [sflag:s15], $0x200  }
0x2d: {  	[sflag:s15] =	ssyncset.done $0x0  }
0x2e: {  	[sflag:s15] =	ssyncadd.s32 $0xFFFFFE00  }
0x2f: {  	_ =	swait.ge [sflag:s15], $0x200  }
0x30: {  	s11 =	rddreg [dreg:$0x6];
	[sflag:s15] =	ssyncset.done $0x0  }
0x31: {  	s12 =	rddreg [dreg:$0x7];
	[sflag:s15] =	ssyncadd.s32 $0xFFFFFE00;
	s10 =	sadd.s32 $0x0, s11  }
0x32: {  	[tilespmem:s16], [sflag:$0x4] =	stream.linear.gather [hbm4b:s10+s4], $0x200, $0x38;
	[tilespmem:$0x1C400] =	vst v63  }
0x33: {  	s24 =	sadd.s32 $0x0, s12  }
0x34: {  	[tilespmem:s17], [sflag:$0x4] =	stream.linear.gather [hbm4b:s24+s4], $0x200, $0x38;
	[tilespmem:$0x1C400] =	vst v63  }
0x35: {  	_ = 	snop  }
0x36: {  	[tilespmem:s19], [sflag:$0x1] =	stream.indirect.gather [hbm4b:s1+s18], $0x80, s4, s18, $0xb8;
	[tilespmem:$0x1C400] =	vst v63  }
0x37: {  	_ =	swait.ge [sflag:s20], $0x4000  }
0x38: {  	[sflag:s20] =	ssyncset.done $0x0  }
0x39: {  	[sflag:s20] =	ssyncadd.s32 $0xFFFFC000  }
0x3a: {  	[tilespmem:s21], [sflag:$0x2] =	stream.indirect.gather [hbm4b:s1+s18], $0x80, s18, s18, $0xb8;
	[tilespmem:$0x1C400] =	vst v63  }
0x3b: {  	_ = 	snop  }
0x3c: {  	[spmem:s2] =	stream.indirect.scatter.add.f32 [tilespmem:s19], [sflag:$0x5], $0x80, s14, s18, $0xb8;
	[tilespmem:$0x1C400] =	vst v63  }
0x3d: {  	_ =	swait.ge [sflag:s13], $0x4000  }
0x3e: {  	[sflag:s13] =	ssyncset.done $0x0  }
0x3f: {  	[sflag:s13] =	ssyncadd.s32 $0xFFFFC000  }
0x40: {  	_ =	swait.ge [sflag:s22], $0x4000  }
0x41: {  	[sflag:s22] =	ssyncset.done $0x0  }
0x42: {  	s25 =	rddreg [dreg:$0x8];
	[sflag:s22] =	ssyncadd.s32 $0xFFFFC000  }
0x43: {  	[tilespmem:s19], [sflag:$0x1] =	stream.indirect.gather [hbm4b:s1+s18], $0x80, s25, s18, $0xb8;
	[tilespmem:$0x1C400] =	vst v63  }
0x44: {  	_ = 	snop  }
0x45: {  	[spmem:s2] =	stream.indirect.scatter.add.f32 [tilespmem:s21], [sflag:$0x5], $0x80, s23, s18, $0xb8;
	[tilespmem:$0x1C400] =	vst v63  }
0x46: {  	_ =	swait.ge [sflag:s13], $0x4000  }
0x47: {  	[sflag:s13] =	ssyncset.done $0x0  }
0x48: {  	[sflag:s13] =	ssyncadd.s32 $0xFFFFC000  }
0x49: {  	_ =	swait.ge [sflag:s20], $0x4000  }
0x4a: {  	[sflag:s20] =	ssyncset.done $0x0  }
0x4b: {  	[sflag:s20] =	ssyncadd.s32 $0xFFFFC000  }
0x4c: {  	[tilespmem:s21], [sflag:$0x2] =	stream.indirect.gather [hbm4b:s1+s18], $0x80, s26, s18, $0xb8;
	[tilespmem:$0x1C400] =	vst v63  }
0x4d: {  	_ = 	snop  }
0x4e: {  	[spmem:s2] =	stream.indirect.scatter.add.f32 [tilespmem:s19], [sflag:$0x5], $0x80, s28, s18, $0xb8;
	[tilespmem:$0x1C400] =	vst v63  }
0x4f: {  	_ =	swait.ge [sflag:s13], $0x4000  }
0x50: {  	[sflag:s13] =	ssyncset.done $0x0  }
0x51: {  	[sflag:s13] =	ssyncadd.s32 $0xFFFFC000  }
0x52: {  	_ =	swait.ge [sflag:s22], $0x4000  }
0x53: {  	[sflag:s22] =	ssyncset.done $0x0  }
0x54: {  	[sflag:s22] =	ssyncadd.s32 $0xFFFFC000  }
0x55: {  	[spmem:s2] =	stream.indirect.scatter.add.f32 [tilespmem:s21], [sflag:$0x5], $0x80, s29, s18, $0xb8;
	[tilespmem:$0x1C400] =	vst v63  }
0x56: {  	_ =	swait.ge [sflag:s13], $0x4000  }
0x57: {  	[sflag:s13] =	ssyncset.done $0x0  }
0x58: {  	[sflag:s13] =	ssyncadd.s32 $0xFFFFC000  }
0x59: {  	_ =	swait.ge [sflag:s30], $0x200  }
0x5a: {  	[sflag:s30] =	ssyncset.done $0x0  }
0x5b: {  	[sflag:s30] =	ssyncadd.s32 $0xFFFFFE00  }
0x5c: {  	p1 =	por $0x0, $0x0;
	_ =	swait.ge [sflag:s30], $0x200  }
0x5d: {  	s12 =	simm.s32 @!p1 $0x0;
	s10 =	rddreg [dreg:$0x4];
	[sflag:s30] =	ssyncset.done $0x0  }
0x5e: {  	s11 =	rddreg [dreg:$0x5];
	[sflag:s30] =	ssyncadd.s32 $0xFFFFFE00;
	s10 =	sadd.s32 @!p1 $0x0, s10  }
0x5f: {  	[tilespmem:s12], [sflag:$0x3] =	stream.linear.gather @!p1 [hbm4b:s10+s12], $0x200, $0x38;
	[tilespmem:$0x1C400] =	vst v63  }
0x60: {  	s10 =	sadd.s32 @!p1 $0x0, s11;
	s11 =	simm.s32 @!p1 $0x400  }
0x61: {  	[tilespmem:s11], [sflag:$0x3] =	stream.linear.gather @!p1 [hbm4b:s10+s12], $0x200, $0x38;
	[tilespmem:$0x1C400] =	vst v63  }
0x62: {  	_ = 	snop  }
0x63: {  	[tilespmem:s19], [sflag:$0x1] =	stream.indirect.gather [hbm4b:s1+s18], $0x80, s16, s18, $0xb8;
	[tilespmem:$0x1C400] =	vst v63  }
0x64: {  	_ =	swait.ge [sflag:s20], $0x4000  }
0x65: {  	[sflag:s20] =	ssyncset.done $0x0  }
0x66: {  	[sflag:s20] =	ssyncadd.s32 $0xFFFFC000  }
0x67: {  	[tilespmem:s21], [sflag:$0x2] =	stream.indirect.gather [hbm4b:s1+s18], $0x80, s31, s18, $0xb8;
	[tilespmem:$0x1C400] =	vst v63  }
0x68: {  	_ = 	snop  }
0x69: {  	[spmem:s2] =	stream.indirect.scatter.add.f32 [tilespmem:s19], [sflag:$0x5], $0x80, s17, s18, $0xb8;
	[tilespmem:$0x1C400] =	vst v63  }
0x6a: {  	_ =	swait.ge [sflag:s13], $0x4000  }
0x6b: {  	[sflag:s13] =	ssyncset.done $0x0  }
0x6c: {  	[sflag:s13] =	ssyncadd.s32 $0xFFFFC000  }
0x6d: {  	_ =	swait.ge [sflag:s22], $0x4000  }
0x6e: {  	[sflag:s22] =	ssyncset.done $0x0  }
0x6f: {  	[sflag:s22] =	ssyncadd.s32 $0xFFFFC000  }
0x70: {  	[tilespmem:s19], [sflag:$0x1] =	stream.indirect.gather [hbm4b:s1+s18], $0x80, s0, s18, $0xb8;
	[tilespmem:$0x1C400] =	vst v63  }
0x71: {  	_ = 	snop  }
0x72: {  	[spmem:s2] =	stream.indirect.scatter.add.f32 [tilespmem:s21], [sflag:$0x5], $0x80, s3, s18, $0xb8;
	[tilespmem:$0x1C400] =	vst v63  }
0x73: {  	_ =	swait.ge [sflag:s13], $0x4000  }
0x74: {  	[sflag:s13] =	ssyncset.done $0x0  }
0x75: {  	[sflag:s13] =	ssyncadd.s32 $0xFFFFC000  }
0x76: {  	_ =	swait.ge [sflag:s20], $0x4000  }
0x77: {  	[sflag:s20] =	ssyncset.done $0x0  }
0x78: {  	[sflag:s20] =	ssyncadd.s32 $0xFFFFC000  }
0x79: {  	[tilespmem:s21], [sflag:$0x2] =	stream.indirect.gather [hbm4b:s1+s18], $0x80, s5, s18, $0xb8;
	[tilespmem:$0x1C400] =	vst v63  }
0x7a: {  	_ = 	snop  }
0x7b: {  	[spmem:s2] =	stream.indirect.scatter.add.f32 [tilespmem:s19], [sflag:$0x5], $0x80, s7, s18, $0xb8;
	[tilespmem:$0x1C400] =	vst v63  }
0x7c: {  	_ =	swait.ge [sflag:s13], $0x4000  }
0x7d: {  	[sflag:s13] =	ssyncset.done $0x0  }
0x7e: {  	[sflag:s13] =	ssyncadd.s32 $0xFFFFC000  }
0x7f: {  	_ =	swait.ge [sflag:s22], $0x4000  }
0x80: {  	[sflag:s22] =	ssyncset.done $0x0  }
0x81: {  	[sflag:s22] =	ssyncadd.s32 $0xFFFFC000  }
0x82: {  	[spmem:s2] =	stream.indirect.scatter.add.f32 [tilespmem:s21], [sflag:$0x5], $0x80, s8, s18, $0xb8;
	[tilespmem:$0x1C400] =	vst v63  }
0x83: {  	_ =	swait.ge [sflag:s13], $0x4000  }
0x84: {  	s10 =	simm.s32 $0x80;
	[sflag:s13] =	ssyncset.done $0x0  }
.LBB2_2:
0x85: {  	[sflag:s13] =	ssyncadd.s32 $0xFFFFC000  }
0x86: {  	_ =	swait.ge [sflag:s15], $0x200  }
0x87: {  	[sflag:s15] =	ssyncset.done $0x0  }
0x88: {  	[sflag:s15] =	ssyncadd.s32 $0xFFFFFE00  }
0x89: {  	_ =	swait.ge [sflag:s15], $0x200  }
0x8a: {  	s11 =	smov.u32 s10;
	s12 =	rddreg [dreg:$0x6];
	[sflag:s15] =	ssyncset.done $0x0  }
0x8b: {  	s24 =	rddreg [dreg:$0x7];
	[sflag:s15] =	ssyncadd.s32 $0xFFFFFE00;
	s12 =	sadd.s32 s11, s12  }
0x8c: {  	[tilespmem:s16], [sflag:$0x4] =	stream.linear.gather [hbm4b:s12+s4], $0x200, $0x38;
	[tilespmem:$0x1C400] =	vst v63  }
0x8d: {  	s24 =	sadd.s32 s11, s24  }
0x8e: {  	[tilespmem:s17], [sflag:$0x4] =	stream.linear.gather [hbm4b:s24+s4], $0x200, $0x38;
	[tilespmem:$0x1C400] =	vst v63  }
0x8f: {  	_ = 	snop  }
0x90: {  	[tilespmem:s19], [sflag:$0x1] =	stream.indirect.gather [hbm4b:s1+s18], $0x80, s4, s18, $0xb8;
	[tilespmem:$0x1C400] =	vst v63  }
0x91: {  	_ =	swait.ge [sflag:s20], $0x4000  }
0x92: {  	[sflag:s20] =	ssyncset.done $0x0  }
0x93: {  	[sflag:s20] =	ssyncadd.s32 $0xFFFFC000  }
0x94: {  	[tilespmem:s21], [sflag:$0x2] =	stream.indirect.gather [hbm4b:s1+s18], $0x80, s18, s18, $0xb8;
	[tilespmem:$0x1C400] =	vst v63  }
0x95: {  	_ = 	snop  }
0x96: {  	[spmem:s2] =	stream.indirect.scatter.add.f32 [tilespmem:s19], [sflag:$0x5], $0x80, s14, s18, $0xb8;
	[tilespmem:$0x1C400] =	vst v63  }
0x97: {  	_ =	swait.ge [sflag:s13], $0x4000  }
0x98: {  	[sflag:s13] =	ssyncset.done $0x0  }
0x99: {  	[sflag:s13] =	ssyncadd.s32 $0xFFFFC000  }
0x9a: {  	_ =	swait.ge [sflag:s22], $0x4000  }
0x9b: {  	[sflag:s22] =	ssyncset.done $0x0  }
0x9c: {  	s25 =	rddreg [dreg:$0x8];
	[sflag:s22] =	ssyncadd.s32 $0xFFFFC000  }
0x9d: {  	[tilespmem:s19], [sflag:$0x1] =	stream.indirect.gather [hbm4b:s1+s18], $0x80, s25, s18, $0xb8;
	[tilespmem:$0x1C400] =	vst v63  }
0x9e: {  	_ = 	snop  }
0x9f: {  	[spmem:s2] =	stream.indirect.scatter.add.f32 [tilespmem:s21], [sflag:$0x5], $0x80, s23, s18, $0xb8;
	[tilespmem:$0x1C400] =	vst v63  }
0xa0: {  	_ =	swait.ge [sflag:s13], $0x4000  }
0xa1: {  	[sflag:s13] =	ssyncset.done $0x0  }
0xa2: {  	[sflag:s13] =	ssyncadd.s32 $0xFFFFC000  }
0xa3: {  	_ =	swait.ge [sflag:s20], $0x4000  }
0xa4: {  	[sflag:s20] =	ssyncset.done $0x0  }
0xa5: {  	[sflag:s20] =	ssyncadd.s32 $0xFFFFC000  }
0xa6: {  	[tilespmem:s21], [sflag:$0x2] =	stream.indirect.gather [hbm4b:s1+s18], $0x80, s26, s18, $0xb8;
	[tilespmem:$0x1C400] =	vst v63  }
0xa7: {  	_ = 	snop  }
0xa8: {  	[spmem:s2] =	stream.indirect.scatter.add.f32 [tilespmem:s19], [sflag:$0x5], $0x80, s28, s18, $0xb8;
	[tilespmem:$0x1C400] =	vst v63  }
0xa9: {  	_ =	swait.ge [sflag:s13], $0x4000  }
0xaa: {  	[sflag:s13] =	ssyncset.done $0x0  }
0xab: {  	[sflag:s13] =	ssyncadd.s32 $0xFFFFC000  }
0xac: {  	_ =	swait.ge [sflag:s22], $0x4000  }
0xad: {  	[sflag:s22] =	ssyncset.done $0x0  }
0xae: {  	[sflag:s22] =	ssyncadd.s32 $0xFFFFC000  }
0xaf: {  	[spmem:s2] =	stream.indirect.scatter.add.f32 [tilespmem:s21], [sflag:$0x5], $0x80, s29, s18, $0xb8;
	[tilespmem:$0x1C400] =	vst v63  }
0xb0: {  	_ =	swait.ge [sflag:s13], $0x4000  }
0xb1: {  	[sflag:s13] =	ssyncset.done $0x0  }
0xb2: {  	[sflag:s13] =	ssyncadd.s32 $0xFFFFC000  }
0xb3: {  	_ =	swait.ge [sflag:s30], $0x200  }
0xb4: {  	[sflag:s30] =	ssyncset.done $0x0  }
0xb5: {  	[sflag:s30] =	ssyncadd.s32 $0xFFFFFE00  }
0xb6: {  	p2 =	seq.s32 s11, $0x480;
	_ =	swait.ge [sflag:s30], $0x200  }
0xb7: {  	s25 =	simm.s32 @!p2 $0x0;
	s12 =	rddreg [dreg:$0x4];
	[sflag:s30] =	ssyncset.done $0x0  }
0xb8: {  	s24 =	rddreg [dreg:$0x5];
	[sflag:s30] =	ssyncadd.s32 $0xFFFFFE00;
	s12 =	sadd.s32 @!p2 s11, s12  }
0xb9: {  	[tilespmem:s25], [sflag:$0x3] =	stream.linear.gather @!p2 [hbm4b:s12+s25], $0x200, $0x38;
	[tilespmem:$0x1C400] =	vst v63  }
0xba: {  	s11 =	sadd.s32 @!p2 s11, s24;
	s12 =	simm.s32 @!p2 $0x400  }
0xbb: {  	[tilespmem:s12], [sflag:$0x3] =	stream.linear.gather @!p2 [hbm4b:s11+s25], $0x200, $0x38;
	[tilespmem:$0x1C400] =	vst v63  }
0xbc: {  	_ = 	snop  }
0xbd: {  	[tilespmem:s19], [sflag:$0x1] =	stream.indirect.gather [hbm4b:s1+s18], $0x80, s16, s18, $0xb8;
	[tilespmem:$0x1C400] =	vst v63  }
0xbe: {  	_ =	swait.ge [sflag:s20], $0x4000  }
0xbf: {  	[sflag:s20] =	ssyncset.done $0x0  }
0xc0: {  	[sflag:s20] =	ssyncadd.s32 $0xFFFFC000  }
0xc1: {  	[tilespmem:s21], [sflag:$0x2] =	stream.indirect.gather [hbm4b:s1+s18], $0x80, s31, s18, $0xb8;
	[tilespmem:$0x1C400] =	vst v63  }
0xc2: {  	_ = 	snop  }
0xc3: {  	[spmem:s2] =	stream.indirect.scatter.add.f32 [tilespmem:s19], [sflag:$0x5], $0x80, s17, s18, $0xb8;
	[tilespmem:$0x1C400] =	vst v63  }
0xc4: {  	_ =	swait.ge [sflag:s13], $0x4000  }
0xc5: {  	[sflag:s13] =	ssyncset.done $0x0  }
0xc6: {  	[sflag:s13] =	ssyncadd.s32 $0xFFFFC000  }
0xc7: {  	_ =	swait.ge [sflag:s22], $0x4000  }
0xc8: {  	[sflag:s22] =	ssyncset.done $0x0  }
0xc9: {  	[sflag:s22] =	ssyncadd.s32 $0xFFFFC000  }
0xca: {  	[tilespmem:s19], [sflag:$0x1] =	stream.indirect.gather [hbm4b:s1+s18], $0x80, s0, s18, $0xb8;
	[tilespmem:$0x1C400] =	vst v63  }
0xcb: {  	_ = 	snop  }
0xcc: {  	[spmem:s2] =	stream.indirect.scatter.add.f32 [tilespmem:s21], [sflag:$0x5], $0x80, s3, s18, $0xb8;
	[tilespmem:$0x1C400] =	vst v63  }
0xcd: {  	_ =	swait.ge [sflag:s13], $0x4000  }
0xce: {  	[sflag:s13] =	ssyncset.done $0x0  }
0xcf: {  	[sflag:s13] =	ssyncadd.s32 $0xFFFFC000  }
0xd0: {  	_ =	swait.ge [sflag:s20], $0x4000  }
0xd1: {  	[sflag:s20] =	ssyncset.done $0x0  }
0xd2: {  	[sflag:s20] =	ssyncadd.s32 $0xFFFFC000  }
0xd3: {  	[tilespmem:s21], [sflag:$0x2] =	stream.indirect.gather [hbm4b:s1+s18], $0x80, s5, s18, $0xb8;
	[tilespmem:$0x1C400] =	vst v63  }
0xd4: {  	_ = 	snop  }
0xd5: {  	[spmem:s2] =	stream.indirect.scatter.add.f32 [tilespmem:s19], [sflag:$0x5], $0x80, s7, s18, $0xb8;
	[tilespmem:$0x1C400] =	vst v63  }
0xd6: {  	_ =	swait.ge [sflag:s13], $0x4000  }
0xd7: {  	[sflag:s13] =	ssyncset.done $0x0  }
0xd8: {  	s10 =	sadd.s32 $0x80, s10;
	[sflag:s13] =	ssyncadd.s32 $0xFFFFC000  }
0xd9: {  	p1 =	sne.s32 s10, $0x500;
	_ =	swait.ge [sflag:s22], $0x4000  }
.Ltmp0:
0xda: {  	[sflag:s22] =	ssyncset.done $0x0;
	(pc) =	sbr.rel @p1 .LBB2_2-.Ltmp0, $4  }
0xdb: {  	[sflag:s22] =	ssyncadd.s32 $0xFFFFC000  }
0xdc: {  	[spmem:s2] =	stream.indirect.scatter.add.f32 [tilespmem:s21], [sflag:$0x5], $0x80, s8, s18, $0xb8;
	[tilespmem:$0x1C400] =	vst v63  }
0xdd: {  	_ =	swait.ge [sflag:s13], $0x4000  }
0xde: {  	[sflag:s13] =	ssyncset.done $0x0  }
0xdf: {  	[sflag:s13] =	ssyncadd.s32 $0xFFFFC000  }
0xe0: {  	[bflag:$0x0] =	sbarrier.arrive $0xFFFF  }
0xe1: {  	s10 =	rddreg [dreg:$0xc]  }
0xe2: {  	s11 =	rddreg [dreg:$0x10]  }
0xe3: {  	[hbm:s10], [sflag:s6] =	dma.local [spmem:s11], $0x2700  }
0xe4: {  	_ =	swait.ge [sflag:s13], $0x2700  }
0xe5: {  	[sflag:s13] =	ssyncset.done $0x0;
	s10 =	rddreg [dreg:$0xd]  }
0xe6: {  	s11 =	rddreg [dreg:$0x11];
	[sflag:s13] =	ssyncadd.s32 $0xFFFFD900  }
0xe7: {  	[hbm:s10], [sflag:s6] =	dma.local @!p0 [spmem:s11], $0x100  }
0xe8: {  	s10 =	simm.s32 @!p0 $0x5  }
0xe9: {  	_ =	swait.ge @!p0 [sflag:s10], $0x100  }
0xea: {  	s9 =	sadd.s32 $0x1, s9;
	s25 =	rddreg [dreg:$0xe]  }
0xeb: {  	p1 =	sne.s32 s9, s25  }
.Ltmp1:
0xec: {  	_ = 	snop;
	(pc) =	sbr.rel @p1 .LBB2_1-.Ltmp1, $3  }
0xed: {  	_ =	sdelay $0x1  }
0xee: {  	[sflag:s10] =	ssyncset.done @!p0 $0x0  }
0xef: {  	[sflag:s10] =	ssyncadd.s32 @!p0 $0xFFFFFF00  }
0xf0: {  	_ =	sfence.sel $0x180000  }
0xf1: {  	[bflag:$0x0] =	sbarrier.arrive $0xFFFF  }
0xf2: {  	_ =	strace $0x90000047  }
0xf3: {  	s0 =	stileid.u32;
	[bflag:$0x2] =	sbarrier.arrive $0xFFFF  }
0xf4: {  	p0 =	sne.s32 s0, $0x0;
	s0 =	rddreg [dreg:$0x3]  }
0xf5: {  	s0 =	sadd.s32 @!p0 $0x100000, s0  }
0xf6: {  	[sflag:s0] =	ssyncadd.tile.s32 @!p0 $0x1;
	_ =	shalt  }
.Lfunc_end2:
_tile_overlayer_lowered:
.L_overlay_start_2:
0xf7: {  	(tag) =	ssettag $0x2  }
0xf8: {  	s0 =	rddreg [dreg:$0x0];
	s2 =	stileid.u32  }
0xf9: {  	s1 =	rddreg [dreg:$0x1];
	p0 =	sne.s32 s2, $0x0  }
0xfa: {  	s3 =	rddreg [dreg:$0x2];
	[bflag:$0x3] =	sbarrier.arrive $0xFFFF;
	s2 =	simm.s32 @!p0 $0x1C05  }
0xfb: {  	[timem:s3], [sflag:s2] =	dma.local @!p0 [hbm:s0], s1  }
0xfc: {  	s0 =	simm.s32 @!p0 $0x5  }
0xfd: {  	_ =	swait.ge @!p0 [sflag:s0], s1  }
0xfe: {  	s1 =	ssub.s32 @!p0 $0x0, s1;
	[sflag:s0] =	ssyncset.done @!p0 $0x0  }
0xff: {  	[sflag:s0] =	ssyncadd.s32 @!p0 s1  }
0x100: {  	[bflag:$0x3] =	sbarrier.arrive $0xFFFF  }
0x101: {  	_ =	shalt  }

// kernel: kernel.9.cloned.1.call-start
scs
__scs_entry_jumppad:
0x0: {  	(pc) =	sbr.rel $0x88, $3  }
0x1: {  	(tag) =	ssettag $0x0;
	lr =	simm.s32 $0x1  }
0x2: {  	[smem:$0x3F99] =	sst lr;
	_ =	strace $0xD0000000  }
0x3: {  	_ = 	snop  }
0x4: {  	_ = 	snop  }
0x5: {  	_ = 	snop  }
0x6: {  	_ = 	snop  }
0x7: {  	_ = 	snop  }
__scs_overlays_trampoline_lowered:
0x8: {  	[smem:$0x3FA8] =	sst s0  }
0x9: {  	[smem:$0x3FA9] =	sst s1  }
0xa: {  	[smem:$0x3FAA] =	sst s2  }
0xb: {  	[smem:$0x3FAB] =	sst s3  }
0xc: {  	[smem:$0x3FAC] =	sst s4  }
0xd: {  	[smem:$0x3FAD] =	sst s5  }
0xe: {  	[smem:$0x3FAE] =	sst s6  }
0xf: {  	[smem:$0x3FAF] =	sst s7  }
0x10: {  	[smem:$0x3FB0] =	sst s8  }
0x11: {  	[smem:$0x3FB1] =	sst s9;
	s0 =	simm.s32 @!p0 $0x0  }
0x12: {  	s1 =	sld [smem:$0x3F97];
	s0 =	simm.s32 @p0 $0x1  }
0x13: {  	[smem:$0x3FB2] =	sst s0;
	s0 =	simm.s32 @!p1 $0x0  }
0x14: {  	s2 =	sld [smem:$0x3F96];
	s0 =	simm.s32 @p1 $0x1  }
0x15: {  	[smem:$0x3FB3] =	sst s0;
	s0 =	simm.s32 @!p2 $0x0  }
0x16: {  	s3 =	sld [smem:$0x3FDB];
	s0 =	simm.s32 @p2 $0x1  }
0x17: {  	s4 =	simm.s32 $0x1BF5;
	[smem:$0x3FB5] =	sst s0  }
0x18: {  	s0 =	sld [smem:$0x3F98];
	_ =	swait.ge [sflag:s4], $0x0  }
0x19: {  	s7 =	sld [smem:$0x3F99]  }
0x1a: {  	s8 =	sadd.s32 $0xFFFFE003, lr  }
0x1b: {  	s9 =	sadd.s32 $0xFFFFFEF7, lr;
	s5 =	simm.s32 $0xFFFFFFFF;
	p2 =	slt.u32 s8, $0xFFFFF086  }
0x1c: {  	p1 =	slt.u32 s9, $0xF7A;
	s5 =	simm.s32 @!p2 $0x0  }
0x1d: {  	s5 =	simm.s32 @p1 $0x1;
	p0 =	seq.s32 s7, s2  }
0x1e: {  	s7 =	smul.u32 @!p0 $0xF7A, s2;
	p2 =	seq.s32 @!p0 s5, $0x0  }
0x1f: {  	s9 =	smul.u32 $0xF7A, s1;
	s8 =	simm.s32 @!p0 $0x1BF5;
	p2 =	por !p2, p0  }
0x20: {  	[sflag:s8] =	ssyncset.s32 @!p0 $0xFFFFF086;
	s6 =	sadd.s32 @!p0 s3, s7;
	s7 =	simm.s32 @!p0 $0x108  }
0x21: {  	s3 =	sadd.s32 s3, s9;
	s6 =	sadd.s32 @!p0 $0x88, s6;
	s7 =	simm.s32 @p2 $0x1082  }
0x22: {  	[simem:s7], [sflag:s8] =	dma.local @!p0 [hbm:s6], $0xF7A  }
0x23: {  	s9 =	sor.u32 $0xD0000000, s2;
	s6 =	simm.s32 $0x108;
	_ =	swait.ge @!p0 [sflag:s8], $0x0  }
0x24: {  	s3 =	sadd.s32 $0x88, s3;
	s6 =	simm.s32 @!p1 $0x1082;
	[sflag:s4] =	ssyncset.s32 $0xFFFFF086  }
0x25: {  	[simem:s6], [sflag:s4] =	dma.local [hbm:s3], $0xF7A  }
0x26: {  	[smem:$0x3F99] =	sst s1;
	(tag) =	ssettag s2;
	_ =	strace s9  }
0x27: {  	s1 =	sld [smem:$0x3FA9]  }
0x28: {  	s2 =	sld [smem:$0x3FAA]  }
0x29: {  	s4 =	sld [smem:$0x3FAC]  }
0x2a: {  	p0 =	seq.s32 s5, $0x0;
	s5 =	sld [smem:$0x3FAD]  }
0x2b: {  	s6 =	sld [smem:$0x3FAE]  }
0x2c: {  	s7 =	sld [smem:$0x3FAF]  }
0x2d: {  	s3 =	simm.s32 $0x108;
	s8 =	sld [smem:$0x3FB0]  }
0x2e: {  	s3 =	simm.s32 @!p0 $0x1082;
	s9 =	sld [smem:$0x3FB1]  }
0x2f: {  	lr =	sadd.s32 s0, s3;
	s0 =	sld [smem:$0x3FA8]  }
0x30: {  	s3 =	sld [smem:$0x3FAB]  }
0x31: {  	[smem:$0x3FB4] =	sst s10  }
0x32: {  	s10 =	sld [smem:$0x3FB2];
	_ =	sdelay $0x3  }
0x33: {  	p0 =	seq.s32 s10, $0x1;
	s10 =	sld [smem:$0x3FB4];
	_ =	sdelay $0x3  }
0x34: {  	[smem:$0x3FB4] =	sst s10  }
0x35: {  	s10 =	sld [smem:$0x3FB3];
	_ =	sdelay $0x3  }
0x36: {  	p1 =	seq.s32 s10, $0x1;
	s10 =	sld [smem:$0x3FB4];
	_ =	sdelay $0x3  }
0x37: {  	[smem:$0x3FB4] =	sst s10  }
0x38: {  	s10 =	sld [smem:$0x3FB5]  }
0x39: {  	_ = 	snop;
	(pc) =	sbr.ind lr, $3  }
0x3a: {  	_ = 	snop  }
0x3b: {  	_ = 	snop  }
0x3c: {  	p2 =	seq.s32 s10, $0x1;
	s10 =	sld [smem:$0x3FB4]  }
0x3d: {  	_ =	shalt  }
0x3e: {  	_ =	shalt  }
0x3f: {  	_ =	shalt  }
0x40: {  	_ =	shalt  }
0x41: {  	_ =	shalt  }
0x42: {  	_ =	shalt  }
0x43: {  	_ =	shalt  }
0x44: {  	_ =	shalt  }
0x45: {  	_ =	shalt  }
0x46: {  	_ =	shalt  }
0x47: {  	_ =	shalt  }
0x48: {  	_ =	shalt  }
0x49: {  	_ =	shalt  }
0x4a: {  	_ =	shalt  }
0x4b: {  	_ =	shalt  }
0x4c: {  	_ =	shalt  }
0x4d: {  	_ =	shalt  }
0x4e: {  	_ =	shalt  }
0x4f: {  	_ =	shalt  }
0x50: {  	_ =	shalt  }
0x51: {  	_ =	shalt  }
0x52: {  	_ =	shalt  }
0x53: {  	_ =	shalt  }
0x54: {  	_ =	shalt  }
0x55: {  	_ =	shalt  }
0x56: {  	_ =	shalt  }
0x57: {  	_ =	shalt  }
0x58: {  	_ =	shalt  }
0x59: {  	_ =	shalt  }
0x5a: {  	_ =	shalt  }
0x5b: {  	_ =	shalt  }
0x5c: {  	_ =	shalt  }
0x5d: {  	_ =	shalt  }
0x5e: {  	_ =	shalt  }
0x5f: {  	_ =	shalt  }
0x60: {  	_ =	shalt  }
0x61: {  	_ =	shalt  }
0x62: {  	_ =	shalt  }
0x63: {  	_ =	shalt  }
0x64: {  	_ =	shalt  }
0x65: {  	_ =	shalt  }
0x66: {  	_ =	shalt  }
0x67: {  	_ =	shalt  }
0x68: {  	_ =	shalt  }
0x69: {  	_ =	shalt  }
0x6a: {  	_ =	shalt  }
0x6b: {  	_ =	shalt  }
0x6c: {  	_ =	shalt  }
0x6d: {  	_ =	shalt  }
0x6e: {  	_ =	shalt  }
0x6f: {  	_ =	shalt  }
0x70: {  	_ =	shalt  }
0x71: {  	_ =	shalt  }
0x72: {  	_ =	shalt  }
0x73: {  	_ =	shalt  }
0x74: {  	_ =	shalt  }
0x75: {  	_ =	shalt  }
0x76: {  	_ =	shalt  }
0x77: {  	_ =	shalt  }
0x78: {  	_ =	shalt  }
0x79: {  	_ =	shalt  }
0x7a: {  	_ =	shalt  }
0x7b: {  	_ =	shalt  }
0x7c: {  	_ =	shalt  }
0x7d: {  	_ =	shalt  }
0x7e: {  	_ =	shalt  }
0x7f: {  	_ =	shalt  }
0x80: {  	_ =	shalt  }
0x81: {  	_ =	shalt  }
0x82: {  	_ =	shalt  }
0x83: {  	_ =	shalt  }
0x84: {  	_ =	shalt  }
0x85: {  	_ =	shalt  }
0x86: {  	_ =	shalt  }
0x87: {  	_ =	shalt  }
.Lfunc_end0:
.L_simem_size_0:
called_computation.1_lowered:
.L_overlay_start_0:
0x88: {  	s2 =	sld [smem:$0x3FD9]  }
0x89: {  	s3 =	sld [smem:$0x3FFE];
	_ =	sdelay $0x1  }
0x8a: {  	s1 =	srdreg.scid  }
0x8b: {  	s0 =	sand.u32 $0x1, s1  }
0x8c: {  	s16 =	sshll.u32 s0, $0xA;
	s2 =	sadd.s32 s3, s2  }
0x8d: {  	s2 =	sadd.s32 s2, s16  }
0x8e: {  	[smem:$0x3FC0] =	sst s2  }
0x8f: {  	_ = 	snop  }
0x90: {  	(tm) =	ssettm $0x1  }
0x91: {  	s17 =	sld [smem:$0x3FFB];
	_ =	sdelay $0x3  }
0x92: {  	_ =	strace s17  }
0x93: {  	s2 =	sld [smem:$0x3FFC];
	_ =	sdelay $0x3  }
0x94: {  	_ =	strace s2  }
0x95: {  	s2 =	sld [smem:$0x3FFD];
	_ =	sdelay $0x3  }
0x96: {  	_ =	strace s2  }
0x97: {  	_ =	strace $0x8FFFFFFF  }
0x98: {  	s18 =	sld [smem:$0x3FDB];
	_ =	sdelay $0x1  }
0x99: {  	s19 =	simm.s32 $_scs_section_size  }
0x9a: {  	s4 =	simm.s32 $_size__tile_overlayer_lowered;
	s5 =	simm.s32 $_tile_overlayer_lowered  }
0x9b: {  	s22 =	simm.s32 $0x1BFF;
	s21 =	sshll.u32 s5, $0x1;
	s2 =	sadd.s32 s19, s18  }
0x9c: {  	s6 =	simm.s32 $0x0;
	s20 =	sshll.u32 s4, $0x1;
	s4 =	sadd.s32 s21, s2  }
0x9d: {  	[timem:s6], [sflag:s22] =	dma.local [hbm:s4], s20  }
0x9e: {  	_ =	swait.ge [sflag:s22], s20  }
0x9f: {  	s3 =	ssub.s32 $0x0, s20;
	[sflag:s22] =	ssyncset.done $0x0  }
0xa0: {  	[sflag:s22] =	ssyncadd.s32 s3;
	_ =	sdelay $0x1  }
0xa1: {  	s23 =	simm.s32 $0x1B8B  }
0xa2: {  	_ =	swait.ge [sflag:s23], $0x1  }
0xa3: {  	[sflag:s23] =	ssyncset.done $0x0  }
0xa4: {  	s25 =	simm.s32 $0x1B8E;
	s24 =	sld [smem:$0x3FFE];
	[sflag:s23] =	ssyncadd.s32 $0xFFFFFFFF  }
0xa5: {  	s26 =	simm.s32 $execute0_lowered;
	[smem:$0x3FD2] =	sst s25  }
0xa6: {  	s4 =	sshll.u32 s26, $0x1;
	_ =	strace $0x80000049;
	[dreg:$0x1] =	wrdreg $0xFFFFFFFF  }
0xa7: {  	s28 =	simm.s32 $_size_execute0_lowered;
	s2 =	sadd.s32 s2, s4;
	[dreg:$0x0] =	wrdreg $0x0  }
0xa8: {  	s4 =	sshll.u32 s28, $0x1;
	[dreg:$0x2] =	wrdreg s2  }
0xa9: {  	[dreg:$0x3] =	wrdreg s4  }
0xaa: {  	[dreg:$0x4] =	wrdreg $0xC0  }
0xab: {  	_ =	task [dreg:s6], $0x5FFFF  }
0xac: {  	[dreg:$0x1] =	wrdreg $0xFFFFFFFF  }
0xad: {  	[dreg:$0x0] =	wrdreg $0x60  }
0xae: {  	[dreg:$0x2] =	wrdreg s24  }
0xaf: {  	[dreg:$0x3] =	wrdreg $0x88000  }
0xb0: {  	[dreg:$0x4] =	wrdreg $0x9  }
0xb1: {  	_ =	task.clear_ibuf [dreg:s6], $0x5FFFF;
	_ =	strace $0x90000049  }
0xb2: {  	s29 =	simm.s32 $0x9;
	_ =	strace $0x8000004B  }
0xb3: {  	_ =	swait.ge [sflag:s29], $0x1  }
0xb4: {  	[sflag:s29] =	ssyncadd.s32 $0xFFFFFFFF  }
0xb5: {  	_ =	strace $0x9000004B  }
0xb6: {  	_ =	sfence  }
0xb7: {  	s30 =	sld [smem:$0x0];
	_ =	sdelay $0x2  }
0xb8: {  	s31 =	sshll.u32 s1, $0xD;
	s1 =	sshrl.u32 s1, $0x2  }
0xb9: {  	s3 =	sand.u32 $0x4000, s31;
	s1 =	sadd.s32 s1, s30  }
0xba: {  	s0 =	sor.u32 s3, s0;
	s1 =	sshll.u32 s1, $0x11  }
0xbb: {  	s0 =	sor.u32 s1, s0  }
0xbc: {  	s0 =	sadd.s32 $0x8F2B, s0  }
0xbd: {  	[sflag:s0] =	ssyncadd.remote.s32 $0x1  }
0xbe: {  	_ =	sfence.sel $0xFFFF  }
0xbf: {  	[dreg:$0x0] =	wrdreg $0xFFFFFFFF;
	(pc) =	sbr.abs _section_cstart, $3  }
0xc0: {  	[dreg:$0x1] =	wrdreg $0xFFFFFFFF  }
0xc1: {  	_ =	task.clear_ibuf [dreg:s6], $0x2FFFF;
	_ =	strace $0x9FFFFFFF  }
0xc2: {  	(tm) =	ssettm $0x7FFFFFFF  }
0xc3: {  	_ =	shalt  }
tec
execute0_lowered:
.L_overlay_start_1:
0x0: {  	(tag) =	ssettag $0x1  }
0x1: {  	s0 =	rddreg [dreg:$0x0]  }
0x2: {  	s1 =	rddreg [dreg:$0x1];
	s3 =	simm.s32 $0x0;
	s2 =	srdreg.scid  }
0x3: {  	s24 =	stileid.u32;
	s28 =	simm.s32 $0x500;
	s29 =	simm.s32 $0x580  }
0x4: {  	s30 =	simm.s32 $0x4;
	s31 =	simm.s32 $0x280;
	[smem:$0x7FF] =	sst s3  }
0x5: {  	s4 =	sadd.s32 $0x17600, s0;
	s2 =	sand.u32 $0x1, s2;
	s5 =	sshll.u32 s24, $0x1  }
0x6: {  	s7 =	sadd.s32 $0xAE00, s0;
	s6 =	smul.u32 $0x4F000, s24;
	s8 =	sadd.s32 $0xE00, s0  }
0x7: {  	s10 =	sadd.s32 $0x14E00, s0;
	s0 =	sadd.s32 $0x3E800, s0;
	s25 =	smul.u32 $0x13800, s24  }
0x8: {  	s12 =	sshll.u32 s24, $0x6;
	s13 =	smul.u32 $0x28, s24;
	p0 =	sne.s32 s24, $0xF  }
0x9: {  	_ =	strace $0x8000004A;
	s5 =	sor.u32 s2, s5;
	s11 =	smul.u32 $0x138800, s2  }
0xa: {  	s9 =	ssub.s32 $0x2, s2;
	[dreg:$0x8] =	wrdreg s10;
	s2 =	smul.u32 $0x14, s2  }
0xb: {  	s5 =	smul.u32 $0x500, s5;
	s23 =	sshrl.u32 s9, $0x1;
	s6 =	sshrl.u32 s6, $0x2  }
0xc: {  	s9 =	ssub.s32 s9, s23;
	s14 =	sadd.s32 s6, s1;
	s6 =	sor.u32 $0x1C05, s12  }
0xd: {  	s10 =	sadd.s32 s25, s11;
	s12 =	smul.u32 $0x4E000, s24;
	s2 =	sadd.s32 s2, s13  }
0xe: {  	s15 =	sshrl.u32 s11, $0x3;
	s13 =	simm.s32 $0x5;
	s25 =	simm.s32 $0x100  }
0xf: {  	s26 =	sadd.s32 s7, s5;
	s5 =	sadd.s32 s8, s5;
	s2 =	sshll.u32 s2, $0x6  }
0x10: {  	s22 =	smax.u32 s9, $0x1;
	s23 =	sshrl.u32 s14, $0x3;
	[dreg:$0x7] =	wrdreg s25  }
0x11: {  	s14 =	simm.s32 $0x400;
	s9 =	simm.s32 $0x0;
	[dreg:$0x9] =	wrdreg s26  }
0x12: {  	[dreg:$0xa] =	wrdreg s5;
	s5 =	sshrl.u32 s10, $0x3;
	s10 =	sshrl.u32 s12, $0x2  }
0x13: {  	s16 =	sor.u32 $0x80, s2;
	s19 =	sadd.s32 s2, s7;
	[dreg:$0xd] =	wrdreg s22  }
0x14: {  	s2 =	sadd.s32 s2, s8;
	[dreg:$0xe] =	wrdreg s23;
	s22 =	simm.s32 $0x2  }
0x15: {  	s23 =	simm.s32 $0x480;
	s5 =	sadd.s32 s0, s5;
	s0 =	sadd.s32 s0, s15  }
0x16: {  	s10 =	sadd.s32 s10, s1;
	s17 =	sadd.s32 s16, s7;
	s18 =	sadd.s32 s16, s8  }
0x17: {  	s20 =	sadd.s32 $0x40, s19;
	s21 =	sadd.s32 $0x40, s2;
	[dreg:$0xb] =	wrdreg s5  }
0x18: {  	s15 =	simm.s32 $0x3;
	s16 =	simm.s32 $0x200;
	[dreg:$0x3] =	wrdreg s17  }
0x19: {  	s19 =	simm.s32 $0x800;
	s2 =	simm.s32 $0x680;
	[dreg:$0x4] =	wrdreg s18  }
0x1a: {  	s7 =	simm.s32 $0x700;
	s8 =	simm.s32 $0x780;
	[dreg:$0x5] =	wrdreg s20  }
0x1b: {  	s0 =	sadd.s32 $0x27000, s0;
	s5 =	sadd.s32 $0x138000, s1;
	[dreg:$0x6] =	wrdreg s21  }
0x1c: {  	s17 =	simm.s32 $0x600;
	s18 =	simm.s32 $0x80;
	s20 =	simm.s32 $0x1  }
0x1d: {  	s21 =	simm.s32 $0x4800;
	s26 =	sshrl.u32 s10, $0x3;
	[dreg:$0xc] =	wrdreg s0  }
0x1e: {  	[dreg:$0xf] =	wrdreg s26;
	s0 =	sshrl.u32 @!p0 s5, $0x3;
	s26 =	simm.s32 $0x180  }
0x1f: {  	s5 =	simm.s32 $0x380;
	[dreg:$0x10] =	wrdreg s0;
	s0 =	simm.s32 $0x300  }
.LBB2_1:
0x20: {  	s10 =	rddreg [dreg:$0x8]  }
0x21: {  	s11 =	rddreg [dreg:$0xe]  }
0x22: {  	[spmem:s11], [sflag:s6] =	dma.local [hbm:s10], $0x2780  }
0x23: {  	_ =	swait.ge [sflag:s13], $0x2780  }
0x24: {  	[sflag:s13] =	ssyncset.done $0x0  }
0x25: {  	[sflag:s13] =	ssyncadd.s32 $0xFFFFD880  }
0x26: {  	[bflag:$0x0] =	sbarrier.arrive $0xFFFF  }
0x27: {  	s24 =	rddreg [dreg:$0x9]  }
0x28: {  	[tilespmem:s3], [sflag:$0x3] =	stream.linear.gather [hbm4b:s24+s3], $0x200, $0x38;
	[tilespmem:$0x1C400] =	vst v63  }
0x29: {  	s25 =	rddreg [dreg:$0xa]  }
0x2a: {  	[tilespmem:s14], [sflag:$0x3] =	stream.linear.gather [hbm4b:s25+s3], $0x200, $0x38;
	[tilespmem:$0x1C400] =	vst v63  }
0x2b: {  	_ =	swait.ge [sflag:s15], $0x200  }
0x2c: {  	[sflag:s15] =	ssyncset.done $0x0  }
0x2d: {  	[sflag:s15] =	ssyncadd.s32 $0xFFFFFE00  }
0x2e: {  	_ =	swait.ge [sflag:s15], $0x200  }
0x2f: {  	s11 =	rddreg [dreg:$0x5];
	[sflag:s15] =	ssyncset.done $0x0  }
0x30: {  	s12 =	rddreg [dreg:$0x6];
	[sflag:s15] =	ssyncadd.s32 $0xFFFFFE00;
	s10 =	sadd.s32 $0x0, s11  }
0x31: {  	[tilespmem:s16], [sflag:$0x4] =	stream.linear.gather [hbm4b:s10+s3], $0x200, $0x38;
	[tilespmem:$0x1C400] =	vst v63  }
0x32: {  	s24 =	sadd.s32 $0x0, s12  }
0x33: {  	[tilespmem:s17], [sflag:$0x4] =	stream.linear.gather [hbm4b:s24+s3], $0x200, $0x38;
	[tilespmem:$0x1C400] =	vst v63  }
0x34: {  	_ = 	snop  }
0x35: {  	[tilespmem:s19], [sflag:$0x1] =	stream.indirect.gather [hbm4b:s4+s18], $0x80, s3, s18, $0xb8;
	[tilespmem:$0x1C400] =	vst v63  }
0x36: {  	_ =	swait.ge [sflag:s20], $0x4000  }
0x37: {  	[sflag:s20] =	ssyncset.done $0x0  }
0x38: {  	[sflag:s20] =	ssyncadd.s32 $0xFFFFC000  }
0x39: {  	[tilespmem:s21], [sflag:$0x2] =	stream.indirect.gather [hbm4b:s4+s18], $0x80, s18, s18, $0xb8;
	[tilespmem:$0x1C400] =	vst v63  }
0x3a: {  	_ = 	snop  }
0x3b: {  	[spmem:s1] =	stream.indirect.scatter.add.f32 [tilespmem:s19], [sflag:$0x5], $0x80, s14, s18, $0xb8;
	[tilespmem:$0x1C400] =	vst v63  }
0x3c: {  	_ =	swait.ge [sflag:s13], $0x4000  }
0x3d: {  	[sflag:s13] =	ssyncset.done $0x0  }
0x3e: {  	[sflag:s13] =	ssyncadd.s32 $0xFFFFC000  }
0x3f: {  	_ =	swait.ge [sflag:s22], $0x4000  }
0x40: {  	[sflag:s22] =	ssyncset.done $0x0  }
0x41: {  	s25 =	rddreg [dreg:$0x7];
	[sflag:s22] =	ssyncadd.s32 $0xFFFFC000  }
0x42: {  	[tilespmem:s19], [sflag:$0x1] =	stream.indirect.gather [hbm4b:s4+s18], $0x80, s25, s18, $0xb8;
	[tilespmem:$0x1C400] =	vst v63  }
0x43: {  	_ = 	snop  }
0x44: {  	[spmem:s1] =	stream.indirect.scatter.add.f32 [tilespmem:s21], [sflag:$0x5], $0x80, s23, s18, $0xb8;
	[tilespmem:$0x1C400] =	vst v63  }
0x45: {  	_ =	swait.ge [sflag:s13], $0x4000  }
0x46: {  	[sflag:s13] =	ssyncset.done $0x0  }
0x47: {  	[sflag:s13] =	ssyncadd.s32 $0xFFFFC000  }
0x48: {  	_ =	swait.ge [sflag:s20], $0x4000  }
0x49: {  	[sflag:s20] =	ssyncset.done $0x0  }
0x4a: {  	[sflag:s20] =	ssyncadd.s32 $0xFFFFC000  }
0x4b: {  	[tilespmem:s21], [sflag:$0x2] =	stream.indirect.gather [hbm4b:s4+s18], $0x80, s26, s18, $0xb8;
	[tilespmem:$0x1C400] =	vst v63  }
0x4c: {  	_ = 	snop  }
0x4d: {  	[spmem:s1] =	stream.indirect.scatter.add.f32 [tilespmem:s19], [sflag:$0x5], $0x80, s28, s18, $0xb8;
	[tilespmem:$0x1C400] =	vst v63  }
0x4e: {  	_ =	swait.ge [sflag:s13], $0x4000  }
0x4f: {  	[sflag:s13] =	ssyncset.done $0x0  }
0x50: {  	[sflag:s13] =	ssyncadd.s32 $0xFFFFC000  }
0x51: {  	_ =	swait.ge [sflag:s22], $0x4000  }
0x52: {  	[sflag:s22] =	ssyncset.done $0x0  }
0x53: {  	[sflag:s22] =	ssyncadd.s32 $0xFFFFC000  }
0x54: {  	[spmem:s1] =	stream.indirect.scatter.add.f32 [tilespmem:s21], [sflag:$0x5], $0x80, s29, s18, $0xb8;
	[tilespmem:$0x1C400] =	vst v63  }
0x55: {  	_ =	swait.ge [sflag:s13], $0x4000  }
0x56: {  	[sflag:s13] =	ssyncset.done $0x0  }
0x57: {  	[sflag:s13] =	ssyncadd.s32 $0xFFFFC000  }
0x58: {  	_ =	swait.ge [sflag:s30], $0x200  }
0x59: {  	[sflag:s30] =	ssyncset.done $0x0  }
0x5a: {  	[sflag:s30] =	ssyncadd.s32 $0xFFFFFE00  }
0x5b: {  	p1 =	por $0x0, $0x0;
	_ =	swait.ge [sflag:s30], $0x200  }
0x5c: {  	s12 =	simm.s32 @!p1 $0x0;
	s10 =	rddreg [dreg:$0x3];
	[sflag:s30] =	ssyncset.done $0x0  }
0x5d: {  	s11 =	rddreg [dreg:$0x4];
	[sflag:s30] =	ssyncadd.s32 $0xFFFFFE00;
	s10 =	sadd.s32 @!p1 $0x0, s10  }
0x5e: {  	[tilespmem:s12], [sflag:$0x3] =	stream.linear.gather @!p1 [hbm4b:s10+s12], $0x200, $0x38;
	[tilespmem:$0x1C400] =	vst v63  }
0x5f: {  	s10 =	sadd.s32 @!p1 $0x0, s11;
	s11 =	simm.s32 @!p1 $0x400  }
0x60: {  	[tilespmem:s11], [sflag:$0x3] =	stream.linear.gather @!p1 [hbm4b:s10+s12], $0x200, $0x38;
	[tilespmem:$0x1C400] =	vst v63  }
0x61: {  	_ = 	snop  }
0x62: {  	[tilespmem:s19], [sflag:$0x1] =	stream.indirect.gather [hbm4b:s4+s18], $0x80, s16, s18, $0xb8;
	[tilespmem:$0x1C400] =	vst v63  }
0x63: {  	_ =	swait.ge [sflag:s20], $0x4000  }
0x64: {  	[sflag:s20] =	ssyncset.done $0x0  }
0x65: {  	[sflag:s20] =	ssyncadd.s32 $0xFFFFC000  }
0x66: {  	[tilespmem:s21], [sflag:$0x2] =	stream.indirect.gather [hbm4b:s4+s18], $0x80, s31, s18, $0xb8;
	[tilespmem:$0x1C400] =	vst v63  }
0x67: {  	_ = 	snop  }
0x68: {  	[spmem:s1] =	stream.indirect.scatter.add.f32 [tilespmem:s19], [sflag:$0x5], $0x80, s17, s18, $0xb8;
	[tilespmem:$0x1C400] =	vst v63  }
0x69: {  	_ =	swait.ge [sflag:s13], $0x4000  }
0x6a: {  	[sflag:s13] =	ssyncset.done $0x0  }
0x6b: {  	[sflag:s13] =	ssyncadd.s32 $0xFFFFC000  }
0x6c: {  	_ =	swait.ge [sflag:s22], $0x4000  }
0x6d: {  	[sflag:s22] =	ssyncset.done $0x0  }
0x6e: {  	[sflag:s22] =	ssyncadd.s32 $0xFFFFC000  }
0x6f: {  	[tilespmem:s19], [sflag:$0x1] =	stream.indirect.gather [hbm4b:s4+s18], $0x80, s0, s18, $0xb8;
	[tilespmem:$0x1C400] =	vst v63  }
0x70: {  	_ = 	snop  }
0x71: {  	[spmem:s1] =	stream.indirect.scatter.add.f32 [tilespmem:s21], [sflag:$0x5], $0x80, s2, s18, $0xb8;
	[tilespmem:$0x1C400] =	vst v63  }
0x72: {  	_ =	swait.ge [sflag:s13], $0x4000  }
0x73: {  	[sflag:s13] =	ssyncset.done $0x0  }
0x74: {  	[sflag:s13] =	ssyncadd.s32 $0xFFFFC000  }
0x75: {  	_ =	swait.ge [sflag:s20], $0x4000  }
0x76: {  	[sflag:s20] =	ssyncset.done $0x0  }
0x77: {  	[sflag:s20] =	ssyncadd.s32 $0xFFFFC000  }
0x78: {  	[tilespmem:s21], [sflag:$0x2] =	stream.indirect.gather [hbm4b:s4+s18], $0x80, s5, s18, $0xb8;
	[tilespmem:$0x1C400] =	vst v63  }
0x79: {  	_ = 	snop  }
0x7a: {  	[spmem:s1] =	stream.indirect.scatter.add.f32 [tilespmem:s19], [sflag:$0x5], $0x80, s7, s18, $0xb8;
	[tilespmem:$0x1C400] =	vst v63  }
0x7b: {  	_ =	swait.ge [sflag:s13], $0x4000  }
0x7c: {  	[sflag:s13] =	ssyncset.done $0x0  }
0x7d: {  	[sflag:s13] =	ssyncadd.s32 $0xFFFFC000  }
0x7e: {  	_ =	swait.ge [sflag:s22], $0x4000  }
0x7f: {  	[sflag:s22] =	ssyncset.done $0x0  }
0x80: {  	[sflag:s22] =	ssyncadd.s32 $0xFFFFC000  }
0x81: {  	[spmem:s1] =	stream.indirect.scatter.add.f32 [tilespmem:s21], [sflag:$0x5], $0x80, s8, s18, $0xb8;
	[tilespmem:$0x1C400] =	vst v63  }
0x82: {  	_ =	swait.ge [sflag:s13], $0x4000  }
0x83: {  	s10 =	simm.s32 $0x80;
	[sflag:s13] =	ssyncset.done $0x0  }
.LBB2_2:
0x84: {  	[sflag:s13] =	ssyncadd.s32 $0xFFFFC000  }
0x85: {  	_ =	swait.ge [sflag:s15], $0x200  }
0x86: {  	[sflag:s15] =	ssyncset.done $0x0  }
0x87: {  	[sflag:s15] =	ssyncadd.s32 $0xFFFFFE00  }
0x88: {  	_ =	swait.ge [sflag:s15], $0x200  }
0x89: {  	s11 =	smov.u32 s10;
	s12 =	rddreg [dreg:$0x5];
	[sflag:s15] =	ssyncset.done $0x0  }
0x8a: {  	s24 =	rddreg [dreg:$0x6];
	[sflag:s15] =	ssyncadd.s32 $0xFFFFFE00;
	s12 =	sadd.s32 s11, s12  }
0x8b: {  	[tilespmem:s16], [sflag:$0x4] =	stream.linear.gather [hbm4b:s12+s3], $0x200, $0x38;
	[tilespmem:$0x1C400] =	vst v63  }
0x8c: {  	s24 =	sadd.s32 s11, s24  }
0x8d: {  	[tilespmem:s17], [sflag:$0x4] =	stream.linear.gather [hbm4b:s24+s3], $0x200, $0x38;
	[tilespmem:$0x1C400] =	vst v63  }
0x8e: {  	_ = 	snop  }
0x8f: {  	[tilespmem:s19], [sflag:$0x1] =	stream.indirect.gather [hbm4b:s4+s18], $0x80, s3, s18, $0xb8;
	[tilespmem:$0x1C400] =	vst v63  }
0x90: {  	_ =	swait.ge [sflag:s20], $0x4000  }
0x91: {  	[sflag:s20] =	ssyncset.done $0x0  }
0x92: {  	[sflag:s20] =	ssyncadd.s32 $0xFFFFC000  }
0x93: {  	[tilespmem:s21], [sflag:$0x2] =	stream.indirect.gather [hbm4b:s4+s18], $0x80, s18, s18, $0xb8;
	[tilespmem:$0x1C400] =	vst v63  }
0x94: {  	_ = 	snop  }
0x95: {  	[spmem:s1] =	stream.indirect.scatter.add.f32 [tilespmem:s19], [sflag:$0x5], $0x80, s14, s18, $0xb8;
	[tilespmem:$0x1C400] =	vst v63  }
0x96: {  	_ =	swait.ge [sflag:s13], $0x4000  }
0x97: {  	[sflag:s13] =	ssyncset.done $0x0  }
0x98: {  	[sflag:s13] =	ssyncadd.s32 $0xFFFFC000  }
0x99: {  	_ =	swait.ge [sflag:s22], $0x4000  }
0x9a: {  	[sflag:s22] =	ssyncset.done $0x0  }
0x9b: {  	s25 =	rddreg [dreg:$0x7];
	[sflag:s22] =	ssyncadd.s32 $0xFFFFC000  }
0x9c: {  	[tilespmem:s19], [sflag:$0x1] =	stream.indirect.gather [hbm4b:s4+s18], $0x80, s25, s18, $0xb8;
	[tilespmem:$0x1C400] =	vst v63  }
0x9d: {  	_ = 	snop  }
0x9e: {  	[spmem:s1] =	stream.indirect.scatter.add.f32 [tilespmem:s21], [sflag:$0x5], $0x80, s23, s18, $0xb8;
	[tilespmem:$0x1C400] =	vst v63  }
0x9f: {  	_ =	swait.ge [sflag:s13], $0x4000  }
0xa0: {  	[sflag:s13] =	ssyncset.done $0x0  }
0xa1: {  	[sflag:s13] =	ssyncadd.s32 $0xFFFFC000  }
0xa2: {  	_ =	swait.ge [sflag:s20], $0x4000  }
0xa3: {  	[sflag:s20] =	ssyncset.done $0x0  }
0xa4: {  	[sflag:s20] =	ssyncadd.s32 $0xFFFFC000  }
0xa5: {  	[tilespmem:s21], [sflag:$0x2] =	stream.indirect.gather [hbm4b:s4+s18], $0x80, s26, s18, $0xb8;
	[tilespmem:$0x1C400] =	vst v63  }
0xa6: {  	_ = 	snop  }
0xa7: {  	[spmem:s1] =	stream.indirect.scatter.add.f32 [tilespmem:s19], [sflag:$0x5], $0x80, s28, s18, $0xb8;
	[tilespmem:$0x1C400] =	vst v63  }
0xa8: {  	_ =	swait.ge [sflag:s13], $0x4000  }
0xa9: {  	[sflag:s13] =	ssyncset.done $0x0  }
0xaa: {  	[sflag:s13] =	ssyncadd.s32 $0xFFFFC000  }
0xab: {  	_ =	swait.ge [sflag:s22], $0x4000  }
0xac: {  	[sflag:s22] =	ssyncset.done $0x0  }
0xad: {  	[sflag:s22] =	ssyncadd.s32 $0xFFFFC000  }
0xae: {  	[spmem:s1] =	stream.indirect.scatter.add.f32 [tilespmem:s21], [sflag:$0x5], $0x80, s29, s18, $0xb8;
	[tilespmem:$0x1C400] =	vst v63  }
0xaf: {  	_ =	swait.ge [sflag:s13], $0x4000  }
0xb0: {  	[sflag:s13] =	ssyncset.done $0x0  }
0xb1: {  	[sflag:s13] =	ssyncadd.s32 $0xFFFFC000  }
0xb2: {  	_ =	swait.ge [sflag:s30], $0x200  }
0xb3: {  	[sflag:s30] =	ssyncset.done $0x0  }
0xb4: {  	[sflag:s30] =	ssyncadd.s32 $0xFFFFFE00  }
0xb5: {  	p2 =	seq.s32 s11, $0x480;
	_ =	swait.ge [sflag:s30], $0x200  }
0xb6: {  	s25 =	simm.s32 @!p2 $0x0;
	s12 =	rddreg [dreg:$0x3];
	[sflag:s30] =	ssyncset.done $0x0  }
0xb7: {  	s24 =	rddreg [dreg:$0x4];
	[sflag:s30] =	ssyncadd.s32 $0xFFFFFE00;
	s12 =	sadd.s32 @!p2 s11, s12  }
0xb8: {  	[tilespmem:s25], [sflag:$0x3] =	stream.linear.gather @!p2 [hbm4b:s12+s25], $0x200, $0x38;
	[tilespmem:$0x1C400] =	vst v63  }
0xb9: {  	s11 =	sadd.s32 @!p2 s11, s24;
	s12 =	simm.s32 @!p2 $0x400  }
0xba: {  	[tilespmem:s12], [sflag:$0x3] =	stream.linear.gather @!p2 [hbm4b:s11+s25], $0x200, $0x38;
	[tilespmem:$0x1C400] =	vst v63  }
0xbb: {  	_ = 	snop  }
0xbc: {  	[tilespmem:s19], [sflag:$0x1] =	stream.indirect.gather [hbm4b:s4+s18], $0x80, s16, s18, $0xb8;
	[tilespmem:$0x1C400] =	vst v63  }
0xbd: {  	_ =	swait.ge [sflag:s20], $0x4000  }
0xbe: {  	[sflag:s20] =	ssyncset.done $0x0  }
0xbf: {  	[sflag:s20] =	ssyncadd.s32 $0xFFFFC000  }
0xc0: {  	[tilespmem:s21], [sflag:$0x2] =	stream.indirect.gather [hbm4b:s4+s18], $0x80, s31, s18, $0xb8;
	[tilespmem:$0x1C400] =	vst v63  }
0xc1: {  	_ = 	snop  }
0xc2: {  	[spmem:s1] =	stream.indirect.scatter.add.f32 [tilespmem:s19], [sflag:$0x5], $0x80, s17, s18, $0xb8;
	[tilespmem:$0x1C400] =	vst v63  }
0xc3: {  	_ =	swait.ge [sflag:s13], $0x4000  }
0xc4: {  	[sflag:s13] =	ssyncset.done $0x0  }
0xc5: {  	[sflag:s13] =	ssyncadd.s32 $0xFFFFC000  }
0xc6: {  	_ =	swait.ge [sflag:s22], $0x4000  }
0xc7: {  	[sflag:s22] =	ssyncset.done $0x0  }
0xc8: {  	[sflag:s22] =	ssyncadd.s32 $0xFFFFC000  }
0xc9: {  	[tilespmem:s19], [sflag:$0x1] =	stream.indirect.gather [hbm4b:s4+s18], $0x80, s0, s18, $0xb8;
	[tilespmem:$0x1C400] =	vst v63  }
0xca: {  	_ = 	snop  }
0xcb: {  	[spmem:s1] =	stream.indirect.scatter.add.f32 [tilespmem:s21], [sflag:$0x5], $0x80, s2, s18, $0xb8;
	[tilespmem:$0x1C400] =	vst v63  }
0xcc: {  	_ =	swait.ge [sflag:s13], $0x4000  }
0xcd: {  	[sflag:s13] =	ssyncset.done $0x0  }
0xce: {  	[sflag:s13] =	ssyncadd.s32 $0xFFFFC000  }
0xcf: {  	_ =	swait.ge [sflag:s20], $0x4000  }
0xd0: {  	[sflag:s20] =	ssyncset.done $0x0  }
0xd1: {  	[sflag:s20] =	ssyncadd.s32 $0xFFFFC000  }
0xd2: {  	[tilespmem:s21], [sflag:$0x2] =	stream.indirect.gather [hbm4b:s4+s18], $0x80, s5, s18, $0xb8;
	[tilespmem:$0x1C400] =	vst v63  }
0xd3: {  	_ = 	snop  }
0xd4: {  	[spmem:s1] =	stream.indirect.scatter.add.f32 [tilespmem:s19], [sflag:$0x5], $0x80, s7, s18, $0xb8;
	[tilespmem:$0x1C400] =	vst v63  }
0xd5: {  	_ =	swait.ge [sflag:s13], $0x4000  }
0xd6: {  	[sflag:s13] =	ssyncset.done $0x0  }
0xd7: {  	s10 =	sadd.s32 $0x80, s10;
	[sflag:s13] =	ssyncadd.s32 $0xFFFFC000  }
0xd8: {  	p1 =	sne.s32 s10, $0x500;
	_ =	swait.ge [sflag:s22], $0x4000  }
.Ltmp0:
0xd9: {  	[sflag:s22] =	ssyncset.done $0x0;
	(pc) =	sbr.rel @p1 .LBB2_2-.Ltmp0, $4  }
0xda: {  	[sflag:s22] =	ssyncadd.s32 $0xFFFFC000  }
0xdb: {  	[spmem:s1] =	stream.indirect.scatter.add.f32 [tilespmem:s21], [sflag:$0x5], $0x80, s8, s18, $0xb8;
	[tilespmem:$0x1C400] =	vst v63  }
0xdc: {  	_ =	swait.ge [sflag:s13], $0x4000  }
0xdd: {  	[sflag:s13] =	ssyncset.done $0x0  }
0xde: {  	[sflag:s13] =	ssyncadd.s32 $0xFFFFC000  }
0xdf: {  	[bflag:$0x0] =	sbarrier.arrive $0xFFFF  }
0xe0: {  	s10 =	rddreg [dreg:$0xb]  }
0xe1: {  	s11 =	rddreg [dreg:$0xf]  }
0xe2: {  	[hbm:s10], [sflag:s6] =	dma.local [spmem:s11], $0x2700  }
0xe3: {  	_ =	swait.ge [sflag:s13], $0x2700  }
0xe4: {  	[sflag:s13] =	ssyncset.done $0x0;
	s10 =	rddreg [dreg:$0xc]  }
0xe5: {  	s11 =	rddreg [dreg:$0x10];
	[sflag:s13] =	ssyncadd.s32 $0xFFFFD900  }
0xe6: {  	[hbm:s10], [sflag:s6] =	dma.local @!p0 [spmem:s11], $0x100  }
0xe7: {  	s10 =	simm.s32 @!p0 $0x5  }
0xe8: {  	_ =	swait.ge @!p0 [sflag:s10], $0x100  }
0xe9: {  	s9 =	sadd.s32 $0x1, s9;
	s25 =	rddreg [dreg:$0xd]  }
0xea: {  	p1 =	sne.s32 s9, s25  }
.Ltmp1:
0xeb: {  	_ = 	snop;
	(pc) =	sbr.rel @p1 .LBB2_1-.Ltmp1, $3  }
0xec: {  	_ =	sdelay $0x1  }
0xed: {  	[sflag:s10] =	ssyncset.done @!p0 $0x0  }
0xee: {  	[sflag:s10] =	ssyncadd.s32 @!p0 $0xFFFFFF00  }
0xef: {  	_ =	sfence.sel $0x180000  }
0xf0: {  	[bflag:$0x0] =	sbarrier.arrive $0xFFFF  }
0xf1: {  	_ =	strace $0x9000004A  }
0xf2: {  	s0 =	stileid.u32;
	[bflag:$0x2] =	sbarrier.arrive $0xFFFF  }
0xf3: {  	p0 =	sne.s32 s0, $0x0;
	s0 =	rddreg [dreg:$0x2]  }
0xf4: {  	s0 =	sadd.s32 @!p0 $0x100000, s0  }
0xf5: {  	[sflag:s0] =	ssyncadd.tile.s32 @!p0 $0x1;
	_ =	shalt  }
.Lfunc_end2:
_tile_overlayer_lowered:
.L_overlay_start_2:
0xf6: {  	(tag) =	ssettag $0x2  }
0xf7: {  	s0 =	rddreg [dreg:$0x0];
	s2 =	stileid.u32  }
0xf8: {  	s1 =	rddreg [dreg:$0x1];
	p0 =	sne.s32 s2, $0x0  }
0xf9: {  	s3 =	rddreg [dreg:$0x2];
	[bflag:$0x3] =	sbarrier.arrive $0xFFFF;
	s2 =	simm.s32 @!p0 $0x1C05  }
0xfa: {  	[timem:s3], [sflag:s2] =	dma.local @!p0 [hbm:s0], s1  }
0xfb: {  	s0 =	simm.s32 @!p0 $0x5  }
0xfc: {  	_ =	swait.ge @!p0 [sflag:s0], s1  }
0xfd: {  	s1 =	ssub.s32 @!p0 $0x0, s1;
	[sflag:s0] =	ssyncset.done @!p0 $0x0  }
0xfe: {  	[sflag:s0] =	ssyncadd.s32 @!p0 s1  }
0xff: {  	[bflag:$0x3] =	sbarrier.arrive $0xFFFF  }
0x100: {  	_ =	shalt  }

</sc_bundles>
